<compile_context>
chip_gen: v7x
topology: tpu7x:2x2x1
jax: 0.10.2.dev20260603
libtpu: 0.0.44.dev20260713+nightly
codegen_flags: <defaults>
</compile_context>

<pallas_src>
import functools

import jax
import jax.numpy as jnp
from jax import lax
from jax.experimental import pallas as pl
from jax.experimental.pallas import tpu as pltpu
from jax.experimental.pallas import tpu_sc as plsc

_NBUF = 4
_DIST = 2
_NW = 32


def _gather_kernel(B, D, n_per_w, chunk):
  mesh = plsc.VectorSubcoreMesh(core_axis_name="c", subcore_axis_name="s")
  n_chunks = n_per_w // chunk
  n_groups = n_chunks // _NBUF
  assert n_groups >= 2 and n_chunks % _NBUF == 0

  @functools.partial(
      pl.kernel,
      mesh=mesh,
      out_type=jax.ShapeDtypeStruct((B, 128), jnp.float32),
      scratch_types=[
          pltpu.VMEM((n_chunks, chunk), jnp.int32),
          [pltpu.VMEM((chunk, D), jnp.float32)] * _NBUF,
          [pltpu.SemaphoreType.DMA] * _NBUF,
          [pltpu.SemaphoreType.DMA] * _NBUF,
      ],
      compiler_params=pltpu.CompilerParams(use_tc_tiling_on_sc=False),
  )
  def k(idx_hbm, table_hbm, out_hbm, idx_v, rows, gsems, wsems):
    nc = lax.axis_size("c")
    wid = lax.axis_index("s") * nc + lax.axis_index("c")
    base = wid * n_per_w
    pltpu.sync_copy(idx_hbm.at[wid], idx_v)

    def g_start(i, b):
      pltpu.async_copy(table_hbm.at[idx_v.at[i]], rows[b], gsems[b])

    def g_wait(i, b):
      pltpu.make_async_copy(table_hbm.at[idx_v.at[i]], rows[b],
                            gsems[b]).wait()

    def w_start(i, b):
      pltpu.async_copy(rows[b],
                       out_hbm.at[pl.ds(base + i * chunk, chunk), pl.ds(0, D)],
                       wsems[b])

    def w_wait(i, b):
      pltpu.make_async_copy(
          rows[b],
          out_hbm.at[pl.ds(base + i * chunk, chunk), pl.ds(0, D)],
          wsems[b]).wait()

    for b in range(_DIST):
      g_start(b, b)

    for b in range(_NBUF):
      i = b
      g_wait(i, b)
      w_start(i, b)
      bj = (b + _DIST) % _NBUF
      if b >= _NBUF - _DIST:
        w_wait(i + _DIST - _NBUF, bj)
      g_start(i + _DIST, bj)

    @pl.loop(1, n_groups - 1)
    def _g(g):
      for b in range(_NBUF):
        i = g * _NBUF + b
        g_wait(i, b)
        w_start(i, b)
        bj = (b + _DIST) % _NBUF
        w_wait(i + _DIST - _NBUF, bj)
        g_start(i + _DIST, bj)

    tail = []
    for b in range(_NBUF):
      i = n_chunks - _NBUF + b
      g_wait(i, b)
      w_start(i, b)
      bj = (b + _DIST) % _NBUF
      w_wait(i + _DIST - _NBUF, bj)
      if b < _NBUF - _DIST:
        g_start(i + _DIST, bj)
      else:
        tail.append((i, b))
    for i, b in tail:
      w_wait(i, b)

  return k


def kernel(x, emb_weight):
  B0, B1 = x.shape
  V, D = emb_weight.shape
  B = B0 * B1
  n_per_w = B // _NW
  chunk = 400

  idx = x.reshape(_NW, n_per_w // chunk, chunk).astype(jnp.int32)
  out = _gather_kernel(B, D, n_per_w, chunk)(idx, emb_weight)
  return out[:, :D].reshape(B0, B1, D)

# --- scband reference (transcript-rebuilt; emitter-appended) ---
"""Pipeline reference for scband-token-embedding-69063074119681 (READ-ONLY COPY).

The authoritative reference and input builder live on the scoring server;
editing this copy changes nothing except your own understanding.
"""

import jax, jax.numpy as jnp
import numpy as np

VOCAB = 1000000
DIM = 64

def setup_inputs(seed: int = 0) -> dict:
    key = jax.random.key(seed)
    k_idx, k_w = jax.random.split(key)
    x = jax.random.randint(k_idx, (4096, 200), 0, VOCAB, dtype=jnp.int64 if jax.config.jax_enable_x64 else jnp.int32)
    emb_weight = jax.random.normal(k_w, (VOCAB, DIM), dtype=jnp.float32)
    return {"x": x, "emb_weight": emb_weight}

def reference(x, emb_weight):
    # nn.Embedding forward: plain row gather from the table
    return jnp.take(emb_weight, x, axis=0)

if __name__ == "__main__":
    import jax
    _d = setup_inputs()
    print(jax.jit(kernel)(*tuple(_d.values())))

</pallas_src>

<mosaic_0001>
#map = affine_map<(d0, d1) -> (0, 0, 0)>
#map1 = affine_map<(d0, d1) -> (0, 0)>
module attributes {stable_mosaic.version = 14 : i64} {
  func.func @k(%arg0: i32, %arg1: i32, %arg2: memref<32x64x400xi32, #tpu.memory_space<hbm>>, %arg3: memref<1000000x64xf32, #tpu.memory_space<hbm>>, %arg4: memref<819200x128xf32, #tpu.memory_space<hbm>>, %arg5: memref<64x400xi32, #tpu.memory_space<vmem>>, %arg6: memref<400x64xf32, #tpu.memory_space<vmem>>, %arg7: memref<400x64xf32, #tpu.memory_space<vmem>>, %arg8: memref<400x64xf32, #tpu.memory_space<vmem>>, %arg9: memref<400x64xf32, #tpu.memory_space<vmem>>, %arg10: memref<!tpu.dma_semaphore, #tpu.memory_space<semaphore_mem>>, %arg11: memref<!tpu.dma_semaphore, #tpu.memory_space<semaphore_mem>>, %arg12: memref<!tpu.dma_semaphore, #tpu.memory_space<semaphore_mem>>, %arg13: memref<!tpu.dma_semaphore, #tpu.memory_space<semaphore_mem>>, %arg14: memref<!tpu.dma_semaphore, #tpu.memory_space<semaphore_mem>>, %arg15: memref<!tpu.dma_semaphore, #tpu.memory_space<semaphore_mem>>, %arg16: memref<!tpu.dma_semaphore, #tpu.memory_space<semaphore_mem>>, %arg17: memref<!tpu.dma_semaphore, #tpu.memory_space<semaphore_mem>>) attributes {dimension_semantics = [#tpu.dimension_semantics<core_parallel>, #tpu.dimension_semantics<subcore_parallel>], iteration_bounds = array<i64: 2, 16>, scalar_prefetch = 0 : i64, scratch_operands = 13 : i64, tpu.core_type = #tpu.core_type<sc_vector_subcore>, window_params = [{transform_indices = #map}, {transform_indices = #map1}, {transform_indices = #map1}]} {
    %mul3A = arith.constant 2 : i32
    %mul3A_0 = arith.muli %arg1, %mul3A : i32
    %add3A = arith.addi %mul3A_0, %arg0 : i32
    %mul3A_1 = arith.constant 25600 : i32
    %mul3A_2 = arith.muli %add3A, %mul3A_1 : i32
    "tpu.region"() ({
      %run_scoped3A = tpu.sem_alloc : memref<!tpu.dma_semaphore, #tpu.memory_space<semaphore_mem>>
      %dma_start3A_213 = arith.constant 0 : i32
      %dma_start3A_214 = arith.constant 0 : i32
      %dma_start3A_215 = tpu.memref_slice %arg2[%add3A, %dma_start3A_213, %dma_start3A_214] : memref<32x64x400xi32, #tpu.memory_space<hbm>> -> memref<1x64x400xi32, #tpu.memory_space<hbm>>
      %dma_start3A_216 = tpu.memref_squeeze %dma_start3A_215 : memref<1x64x400xi32, #tpu.memory_space<hbm>> -> memref<64x400xi32, #tpu.memory_space<hbm>>
      %dma_start3A_217 = arith.constant 0 : i32
      %dma_start3A_218 = arith.constant 0 : i32
      %dma_start3A_219 = tpu.memref_slice %arg2[%add3A, %dma_start3A_217, %dma_start3A_218] : memref<32x64x400xi32, #tpu.memory_space<hbm>> -> memref<1x64x400xi32, #tpu.memory_space<hbm>>
      %dma_start3A_220 = tpu.memref_squeeze %dma_start3A_219 : memref<1x64x400xi32, #tpu.memory_space<hbm>> -> memref<64x400xi32, #tpu.memory_space<hbm>>
      tpu.enqueue_dma source(%dma_start3A_220 : memref<64x400xi32, #tpu.memory_space<hbm>>) target(%arg5 : memref<64x400xi32, #tpu.memory_space<vmem>>) target_semaphore(%run_scoped3A : memref<!tpu.dma_semaphore, #tpu.memory_space<semaphore_mem>>)
      %dma_wait3A_221 = arith.constant 0 : i32
      %dma_wait3A_222 = arith.constant 0 : i32
      %dma_wait3A_223 = tpu.memref_slice %arg2[%add3A, %dma_wait3A_221, %dma_wait3A_222] : memref<32x64x400xi32, #tpu.memory_space<hbm>> -> memref<1x64x400xi32, #tpu.memory_space<hbm>>
      %dma_wait3A_224 = tpu.memref_squeeze %dma_wait3A_223 : memref<1x64x400xi32, #tpu.memory_space<hbm>> -> memref<64x400xi32, #tpu.memory_space<hbm>>
      %dma_wait3A_225 = arith.constant 0 : i32
      %dma_wait3A_226 = arith.constant 0 : i32
      %dma_wait3A_227 = tpu.memref_slice %arg2[%add3A, %dma_wait3A_225, %dma_wait3A_226] : memref<32x64x400xi32, #tpu.memory_space<hbm>> -> memref<1x64x400xi32, #tpu.memory_space<hbm>>
      %dma_wait3A_228 = tpu.memref_squeeze %dma_wait3A_227 : memref<1x64x400xi32, #tpu.memory_space<hbm>> -> memref<64x400xi32, #tpu.memory_space<hbm>>
      tpu.wait_dma2 semaphore(%run_scoped3A : memref<!tpu.dma_semaphore, #tpu.memory_space<semaphore_mem>>) src(%dma_wait3A_228 : memref<64x400xi32, #tpu.memory_space<hbm>>) dst(%arg5 : memref<64x400xi32, #tpu.memory_space<vmem>>)
      tpu.yield
    }) : () -> ()
    %dma_start3A = arith.constant 0 : i32
    %dma_start3A_3 = arith.constant 0 : i32
    %dma_start3A_4 = tpu.memref_slice %arg5[%dma_start3A, %dma_start3A_3] : memref<64x400xi32, #tpu.memory_space<vmem>> -> memref<1x400xi32, #tpu.memory_space<vmem>>
    %dma_start3A_5 = tpu.memref_squeeze %dma_start3A_4 : memref<1x400xi32, #tpu.memory_space<vmem>> -> memref<400xi32, #tpu.memory_space<vmem>>
    %dma_start3A_6 = arith.constant 0 : i32
    %dma_start3A_7 = arith.constant 0 : i32
    %dma_start3A_8 = tpu.memref_slice %arg3[%dma_start3A_6, %dma_start3A_7] : memref<1000000x64xf32, #tpu.memory_space<hbm>> -> memref<1000000x64xf32, #tpu.memory_space<hbm>>
    tpu.enqueue_indirect_dma source(%dma_start3A_8 : memref<1000000x64xf32, #tpu.memory_space<hbm>>) target(%arg6 : memref<400x64xf32, #tpu.memory_space<vmem>>) offsets(%dma_start3A_5 : memref<400xi32, #tpu.memory_space<vmem>>) semaphore(%arg10 : memref<!tpu.dma_semaphore, #tpu.memory_space<semaphore_mem>>)
    %dma_start3A_9 = arith.constant 1 : i32
    %dma_start3A_10 = arith.constant 0 : i32
    %dma_start3A_11 = tpu.memref_slice %arg5[%dma_start3A_9, %dma_start3A_10] : memref<64x400xi32, #tpu.memory_space<vmem>> -> memref<1x400xi32, #tpu.memory_space<vmem>>
    %dma_start3A_12 = tpu.memref_squeeze %dma_start3A_11 : memref<1x400xi32, #tpu.memory_space<vmem>> -> memref<400xi32, #tpu.memory_space<vmem>>
    %dma_start3A_13 = arith.constant 0 : i32
    %dma_start3A_14 = arith.constant 0 : i32
    %dma_start3A_15 = tpu.memref_slice %arg3[%dma_start3A_13, %dma_start3A_14] : memref<1000000x64xf32, #tpu.memory_space<hbm>> -> memref<1000000x64xf32, #tpu.memory_space<hbm>>
    tpu.enqueue_indirect_dma source(%dma_start3A_15 : memref<1000000x64xf32, #tpu.memory_space<hbm>>) target(%arg7 : memref<400x64xf32, #tpu.memory_space<vmem>>) offsets(%dma_start3A_12 : memref<400xi32, #tpu.memory_space<vmem>>) semaphore(%arg11 : memref<!tpu.dma_semaphore, #tpu.memory_space<semaphore_mem>>)
    %dma_wait3A = arith.constant 0 : i32
    %dma_wait3A_16 = arith.constant 0 : i32
    %dma_wait3A_17 = tpu.memref_slice %arg5[%dma_wait3A, %dma_wait3A_16] : memref<64x400xi32, #tpu.memory_space<vmem>> -> memref<1x400xi32, #tpu.memory_space<vmem>>
    %dma_wait3A_18 = tpu.memref_squeeze %dma_wait3A_17 : memref<1x400xi32, #tpu.memory_space<vmem>> -> memref<400xi32, #tpu.memory_space<vmem>>
    %dma_wait3A_19 = arith.constant 0 : i32
    %dma_wait3A_20 = arith.constant 0 : i32
    %dma_wait3A_21 = tpu.memref_slice %arg3[%dma_wait3A_19, %dma_wait3A_20] : memref<1000000x64xf32, #tpu.memory_space<hbm>> -> memref<1000000x64xf32, #tpu.memory_space<hbm>>
    tpu.wait_indirect_dma semaphore(%arg10 : memref<!tpu.dma_semaphore, #tpu.memory_space<semaphore_mem>>) src(%dma_wait3A_21 : memref<1000000x64xf32, #tpu.memory_space<hbm>>) dst(%arg6 : memref<400x64xf32, #tpu.memory_space<vmem>>)
    %add3A_22 = arith.constant 0 : i32
    %add3A_23 = arith.addi %mul3A_2, %add3A_22 : i32
    %dma_start3A_24 = arith.constant 0 : i32
    %dma_start3A_25 = tpu.memref_slice %arg4[%add3A_23, %dma_start3A_24] : memref<819200x128xf32, #tpu.memory_space<hbm>> -> memref<400x64xf32, #tpu.memory_space<hbm>>
    %dma_start3A_26 = arith.constant 0 : i32
    %dma_start3A_27 = tpu.memref_slice %arg4[%add3A_23, %dma_start3A_26] : memref<819200x128xf32, #tpu.memory_space<hbm>> -> memref<400x64xf32, #tpu.memory_space<hbm>>
    tpu.enqueue_dma source(%arg6 : memref<400x64xf32, #tpu.memory_space<vmem>>) target(%dma_start3A_27 : memref<400x64xf32, #tpu.memory_space<hbm>>) target_semaphore(%arg14 : memref<!tpu.dma_semaphore, #tpu.memory_space<semaphore_mem>>)
    %dma_start3A_28 = arith.constant 2 : i32
    %dma_start3A_29 = arith.constant 0 : i32
    %dma_start3A_30 = tpu.memref_slice %arg5[%dma_start3A_28, %dma_start3A_29] : memref<64x400xi32, #tpu.memory_space<vmem>> -> memref<1x400xi32, #tpu.memory_space<vmem>>
    %dma_start3A_31 = tpu.memref_squeeze %dma_start3A_30 : memref<1x400xi32, #tpu.memory_space<vmem>> -> memref<400xi32, #tpu.memory_space<vmem>>
    %dma_start3A_32 = arith.constant 0 : i32
    %dma_start3A_33 = arith.constant 0 : i32
    %dma_start3A_34 = tpu.memref_slice %arg3[%dma_start3A_32, %dma_start3A_33] : memref<1000000x64xf32, #tpu.memory_space<hbm>> -> memref<1000000x64xf32, #tpu.memory_space<hbm>>
    tpu.enqueue_indirect_dma source(%dma_start3A_34 : memref<1000000x64xf32, #tpu.memory_space<hbm>>) target(%arg8 : memref<400x64xf32, #tpu.memory_space<vmem>>) offsets(%dma_start3A_31 : memref<400xi32, #tpu.memory_space<vmem>>) semaphore(%arg12 : memref<!tpu.dma_semaphore, #tpu.memory_space<semaphore_mem>>)
    %dma_wait3A_35 = arith.constant 1 : i32
    %dma_wait3A_36 = arith.constant 0 : i32
    %dma_wait3A_37 = tpu.memref_slice %arg5[%dma_wait3A_35, %dma_wait3A_36] : memref<64x400xi32, #tpu.memory_space<vmem>> -> memref<1x400xi32, #tpu.memory_space<vmem>>
    %dma_wait3A_38 = tpu.memref_squeeze %dma_wait3A_37 : memref<1x400xi32, #tpu.memory_space<vmem>> -> memref<400xi32, #tpu.memory_space<vmem>>
    %dma_wait3A_39 = arith.constant 0 : i32
    %dma_wait3A_40 = arith.constant 0 : i32
    %dma_wait3A_41 = tpu.memref_slice %arg3[%dma_wait3A_39, %dma_wait3A_40] : memref<1000000x64xf32, #tpu.memory_space<hbm>> -> memref<1000000x64xf32, #tpu.memory_space<hbm>>
    tpu.wait_indirect_dma semaphore(%arg11 : memref<!tpu.dma_semaphore, #tpu.memory_space<semaphore_mem>>) src(%dma_wait3A_41 : memref<1000000x64xf32, #tpu.memory_space<hbm>>) dst(%arg7 : memref<400x64xf32, #tpu.memory_space<vmem>>)
    %add3A_42 = arith.constant 400 : i32
    %add3A_43 = arith.addi %mul3A_2, %add3A_42 : i32
    %dma_start3A_44 = arith.constant 0 : i32
    %dma_start3A_45 = tpu.memref_slice %arg4[%add3A_43, %dma_start3A_44] : memref<819200x128xf32, #tpu.memory_space<hbm>> -> memref<400x64xf32, #tpu.memory_space<hbm>>
    %dma_start3A_46 = arith.constant 0 : i32
    %dma_start3A_47 = tpu.memref_slice %arg4[%add3A_43, %dma_start3A_46] : memref<819200x128xf32, #tpu.memory_space<hbm>> -> memref<400x64xf32, #tpu.memory_space<hbm>>
    tpu.enqueue_dma source(%arg7 : memref<400x64xf32, #tpu.memory_space<vmem>>) target(%dma_start3A_47 : memref<400x64xf32, #tpu.memory_space<hbm>>) target_semaphore(%arg15 : memref<!tpu.dma_semaphore, #tpu.memory_space<semaphore_mem>>)
    %dma_start3A_48 = arith.constant 3 : i32
    %dma_start3A_49 = arith.constant 0 : i32
    %dma_start3A_50 = tpu.memref_slice %arg5[%dma_start3A_48, %dma_start3A_49] : memref<64x400xi32, #tpu.memory_space<vmem>> -> memref<1x400xi32, #tpu.memory_space<vmem>>
    %dma_start3A_51 = tpu.memref_squeeze %dma_start3A_50 : memref<1x400xi32, #tpu.memory_space<vmem>> -> memref<400xi32, #tpu.memory_space<vmem>>
    %dma_start3A_52 = arith.constant 0 : i32
    %dma_start3A_53 = arith.constant 0 : i32
    %dma_start3A_54 = tpu.memref_slice %arg3[%dma_start3A_52, %dma_start3A_53] : memref<1000000x64xf32, #tpu.memory_space<hbm>> -> memref<1000000x64xf32, #tpu.memory_space<hbm>>
    tpu.enqueue_indirect_dma source(%dma_start3A_54 : memref<1000000x64xf32, #tpu.memory_space<hbm>>) target(%arg9 : memref<400x64xf32, #tpu.memory_space<vmem>>) offsets(%dma_start3A_51 : memref<400xi32, #tpu.memory_space<vmem>>) semaphore(%arg13 : memref<!tpu.dma_semaphore, #tpu.memory_space<semaphore_mem>>)
    %dma_wait3A_55 = arith.constant 2 : i32
    %dma_wait3A_56 = arith.constant 0 : i32
    %dma_wait3A_57 = tpu.memref_slice %arg5[%dma_wait3A_55, %dma_wait3A_56] : memref<64x400xi32, #tpu.memory_space<vmem>> -> memref<1x400xi32, #tpu.memory_space<vmem>>
    %dma_wait3A_58 = tpu.memref_squeeze %dma_wait3A_57 : memref<1x400xi32, #tpu.memory_space<vmem>> -> memref<400xi32, #tpu.memory_space<vmem>>
    %dma_wait3A_59 = arith.constant 0 : i32
    %dma_wait3A_60 = arith.constant 0 : i32
    %dma_wait3A_61 = tpu.memref_slice %arg3[%dma_wait3A_59, %dma_wait3A_60] : memref<1000000x64xf32, #tpu.memory_space<hbm>> -> memref<1000000x64xf32, #tpu.memory_space<hbm>>
    tpu.wait_indirect_dma semaphore(%arg12 : memref<!tpu.dma_semaphore, #tpu.memory_space<semaphore_mem>>) src(%dma_wait3A_61 : memref<1000000x64xf32, #tpu.memory_space<hbm>>) dst(%arg8 : memref<400x64xf32, #tpu.memory_space<vmem>>)
    %add3A_62 = arith.constant 800 : i32
    %add3A_63 = arith.addi %mul3A_2, %add3A_62 : i32
    %dma_start3A_64 = arith.constant 0 : i32
    %dma_start3A_65 = tpu.memref_slice %arg4[%add3A_63, %dma_start3A_64] : memref<819200x128xf32, #tpu.memory_space<hbm>> -> memref<400x64xf32, #tpu.memory_space<hbm>>
    %dma_start3A_66 = arith.constant 0 : i32
    %dma_start3A_67 = tpu.memref_slice %arg4[%add3A_63, %dma_start3A_66] : memref<819200x128xf32, #tpu.memory_space<hbm>> -> memref<400x64xf32, #tpu.memory_space<hbm>>
    tpu.enqueue_dma source(%arg8 : memref<400x64xf32, #tpu.memory_space<vmem>>) target(%dma_start3A_67 : memref<400x64xf32, #tpu.memory_space<hbm>>) target_semaphore(%arg16 : memref<!tpu.dma_semaphore, #tpu.memory_space<semaphore_mem>>)
    %add3A_68 = arith.constant 0 : i32
    %add3A_69 = arith.addi %mul3A_2, %add3A_68 : i32
    %dma_wait3A_70 = arith.constant 0 : i32
    %dma_wait3A_71 = tpu.memref_slice %arg4[%add3A_69, %dma_wait3A_70] : memref<819200x128xf32, #tpu.memory_space<hbm>> -> memref<400x64xf32, #tpu.memory_space<hbm>>
    %dma_wait3A_72 = arith.constant 0 : i32
    %dma_wait3A_73 = tpu.memref_slice %arg4[%add3A_69, %dma_wait3A_72] : memref<819200x128xf32, #tpu.memory_space<hbm>> -> memref<400x64xf32, #tpu.memory_space<hbm>>
    tpu.wait_dma2 semaphore(%arg14 : memref<!tpu.dma_semaphore, #tpu.memory_space<semaphore_mem>>) src(%arg6 : memref<400x64xf32, #tpu.memory_space<vmem>>) dst(%dma_wait3A_73 : memref<400x64xf32, #tpu.memory_space<hbm>>)
    %dma_start3A_74 = arith.constant 4 : i32
    %dma_start3A_75 = arith.constant 0 : i32
    %dma_start3A_76 = tpu.memref_slice %arg5[%dma_start3A_74, %dma_start3A_75] : memref<64x400xi32, #tpu.memory_space<vmem>> -> memref<1x400xi32, #tpu.memory_space<vmem>>
    %dma_start3A_77 = tpu.memref_squeeze %dma_start3A_76 : memref<1x400xi32, #tpu.memory_space<vmem>> -> memref<400xi32, #tpu.memory_space<vmem>>
    %dma_start3A_78 = arith.constant 0 : i32
    %dma_start3A_79 = arith.constant 0 : i32
    %dma_start3A_80 = tpu.memref_slice %arg3[%dma_start3A_78, %dma_start3A_79] : memref<1000000x64xf32, #tpu.memory_space<hbm>> -> memref<1000000x64xf32, #tpu.memory_space<hbm>>
    tpu.enqueue_indirect_dma source(%dma_start3A_80 : memref<1000000x64xf32, #tpu.memory_space<hbm>>) target(%arg6 : memref<400x64xf32, #tpu.memory_space<vmem>>) offsets(%dma_start3A_77 : memref<400xi32, #tpu.memory_space<vmem>>) semaphore(%arg10 : memref<!tpu.dma_semaphore, #tpu.memory_space<semaphore_mem>>)
    %dma_wait3A_81 = arith.constant 3 : i32
    %dma_wait3A_82 = arith.constant 0 : i32
    %dma_wait3A_83 = tpu.memref_slice %arg5[%dma_wait3A_81, %dma_wait3A_82] : memref<64x400xi32, #tpu.memory_space<vmem>> -> memref<1x400xi32, #tpu.memory_space<vmem>>
    %dma_wait3A_84 = tpu.memref_squeeze %dma_wait3A_83 : memref<1x400xi32, #tpu.memory_space<vmem>> -> memref<400xi32, #tpu.memory_space<vmem>>
    %dma_wait3A_85 = arith.constant 0 : i32
    %dma_wait3A_86 = arith.constant 0 : i32
    %dma_wait3A_87 = tpu.memref_slice %arg3[%dma_wait3A_85, %dma_wait3A_86] : memref<1000000x64xf32, #tpu.memory_space<hbm>> -> memref<1000000x64xf32, #tpu.memory_space<hbm>>
    tpu.wait_indirect_dma semaphore(%arg13 : memref<!tpu.dma_semaphore, #tpu.memory_space<semaphore_mem>>) src(%dma_wait3A_87 : memref<1000000x64xf32, #tpu.memory_space<hbm>>) dst(%arg9 : memref<400x64xf32, #tpu.memory_space<vmem>>)
    %add3A_88 = arith.constant 1200 : i32
    %add3A_89 = arith.addi %mul3A_2, %add3A_88 : i32
    %dma_start3A_90 = arith.constant 0 : i32
    %dma_start3A_91 = tpu.memref_slice %arg4[%add3A_89, %dma_start3A_90] : memref<819200x128xf32, #tpu.memory_space<hbm>> -> memref<400x64xf32, #tpu.memory_space<hbm>>
    %dma_start3A_92 = arith.constant 0 : i32
    %dma_start3A_93 = tpu.memref_slice %arg4[%add3A_89, %dma_start3A_92] : memref<819200x128xf32, #tpu.memory_space<hbm>> -> memref<400x64xf32, #tpu.memory_space<hbm>>
    tpu.enqueue_dma source(%arg9 : memref<400x64xf32, #tpu.memory_space<vmem>>) target(%dma_start3A_93 : memref<400x64xf32, #tpu.memory_space<hbm>>) target_semaphore(%arg17 : memref<!tpu.dma_semaphore, #tpu.memory_space<semaphore_mem>>)
    %add3A_94 = arith.constant 400 : i32
    %add3A_95 = arith.addi %mul3A_2, %add3A_94 : i32
    %dma_wait3A_96 = arith.constant 0 : i32
    %dma_wait3A_97 = tpu.memref_slice %arg4[%add3A_95, %dma_wait3A_96] : memref<819200x128xf32, #tpu.memory_space<hbm>> -> memref<400x64xf32, #tpu.memory_space<hbm>>
    %dma_wait3A_98 = arith.constant 0 : i32
    %dma_wait3A_99 = tpu.memref_slice %arg4[%add3A_95, %dma_wait3A_98] : memref<819200x128xf32, #tpu.memory_space<hbm>> -> memref<400x64xf32, #tpu.memory_space<hbm>>
    tpu.wait_dma2 semaphore(%arg15 : memref<!tpu.dma_semaphore, #tpu.memory_space<semaphore_mem>>) src(%arg7 : memref<400x64xf32, #tpu.memory_space<vmem>>) dst(%dma_wait3A_99 : memref<400x64xf32, #tpu.memory_space<hbm>>)
    %dma_start3A_100 = arith.constant 5 : i32
    %dma_start3A_101 = arith.constant 0 : i32
    %dma_start3A_102 = tpu.memref_slice %arg5[%dma_start3A_100, %dma_start3A_101] : memref<64x400xi32, #tpu.memory_space<vmem>> -> memref<1x400xi32, #tpu.memory_space<vmem>>
    %dma_start3A_103 = tpu.memref_squeeze %dma_start3A_102 : memref<1x400xi32, #tpu.memory_space<vmem>> -> memref<400xi32, #tpu.memory_space<vmem>>
    %dma_start3A_104 = arith.constant 0 : i32
    %dma_start3A_105 = arith.constant 0 : i32
    %dma_start3A_106 = tpu.memref_slice %arg3[%dma_start3A_104, %dma_start3A_105] : memref<1000000x64xf32, #tpu.memory_space<hbm>> -> memref<1000000x64xf32, #tpu.memory_space<hbm>>
    tpu.enqueue_indirect_dma source(%dma_start3A_106 : memref<1000000x64xf32, #tpu.memory_space<hbm>>) target(%arg7 : memref<400x64xf32, #tpu.memory_space<vmem>>) offsets(%dma_start3A_103 : memref<400xi32, #tpu.memory_space<vmem>>) semaphore(%arg11 : memref<!tpu.dma_semaphore, #tpu.memory_space<semaphore_mem>>)
    %scan3A = arith.constant 0 : i32
    %scan3A_107 = arith.constant 14 : i32
    %scan3A_108 = arith.addi %scan3A, %scan3A_107 : i32
    %scan3A_109 = arith.constant 1 : i32
    scf.for %scan3A_213 = %scan3A to %scan3A_108 step %scan3A_109  : i32 {
      %mul3A_214 = arith.constant 1 : i32
      %mul3A_215 = arith.muli %scan3A_213, %mul3A_214 : i32
      %add3A_216 = arith.constant 1 : i32
      %add3A_217 = arith.addi %add3A_216, %mul3A_215 : i32
      %mul3A_218 = arith.constant 4 : i32
      %mul3A_219 = arith.muli %add3A_217, %mul3A_218 : i32
      %add3A_220 = arith.constant 0 : i32
      %add3A_221 = arith.addi %mul3A_219, %add3A_220 : i32
      %dma_wait3A_222 = arith.constant 0 : i32
      %dma_wait3A_223 = tpu.memref_slice %arg5[%add3A_221, %dma_wait3A_222] : memref<64x400xi32, #tpu.memory_space<vmem>> -> memref<1x400xi32, #tpu.memory_space<vmem>>
      %dma_wait3A_224 = tpu.memref_squeeze %dma_wait3A_223 : memref<1x400xi32, #tpu.memory_space<vmem>> -> memref<400xi32, #tpu.memory_space<vmem>>
      %dma_wait3A_225 = arith.constant 0 : i32
      %dma_wait3A_226 = arith.constant 0 : i32
      %dma_wait3A_227 = tpu.memref_slice %arg3[%dma_wait3A_225, %dma_wait3A_226] : memref<1000000x64xf32, #tpu.memory_space<hbm>> -> memref<1000000x64xf32, #tpu.memory_space<hbm>>
      tpu.wait_indirect_dma semaphore(%arg10 : memref<!tpu.dma_semaphore, #tpu.memory_space<semaphore_mem>>) src(%dma_wait3A_227 : memref<1000000x64xf32, #tpu.memory_space<hbm>>) dst(%arg6 : memref<400x64xf32, #tpu.memory_space<vmem>>)
      %mul3A_228 = arith.constant 400 : i32
      %mul3A_229 = arith.muli %add3A_221, %mul3A_228 : i32
      %add3A_230 = arith.addi %mul3A_2, %mul3A_229 : i32
      %dma_start3A_231 = arith.constant 0 : i32
      %dma_start3A_232 = tpu.memref_slice %arg4[%add3A_230, %dma_start3A_231] : memref<819200x128xf32, #tpu.memory_space<hbm>> -> memref<400x64xf32, #tpu.memory_space<hbm>>
      %dma_start3A_233 = arith.constant 0 : i32
      %dma_start3A_234 = tpu.memref_slice %arg4[%add3A_230, %dma_start3A_233] : memref<819200x128xf32, #tpu.memory_space<hbm>> -> memref<400x64xf32, #tpu.memory_space<hbm>>
      tpu.enqueue_dma source(%arg6 : memref<400x64xf32, #tpu.memory_space<vmem>>) target(%dma_start3A_234 : memref<400x64xf32, #tpu.memory_space<hbm>>) target_semaphore(%arg14 : memref<!tpu.dma_semaphore, #tpu.memory_space<semaphore_mem>>)
      %add3A_235 = arith.constant 2 : i32
      %add3A_236 = arith.addi %add3A_221, %add3A_235 : i32
      %sub3A = arith.constant 4 : i32
      %sub3A_237 = arith.subi %add3A_236, %sub3A : i32
      %mul3A_238 = arith.constant 400 : i32
      %mul3A_239 = arith.muli %sub3A_237, %mul3A_238 : i32
      %add3A_240 = arith.addi %mul3A_2, %mul3A_239 : i32
      %dma_wait3A_241 = arith.constant 0 : i32
      %dma_wait3A_242 = tpu.memref_slice %arg4[%add3A_240, %dma_wait3A_241] : memref<819200x128xf32, #tpu.memory_space<hbm>> -> memref<400x64xf32, #tpu.memory_space<hbm>>
      %dma_wait3A_243 = arith.constant 0 : i32
      %dma_wait3A_244 = tpu.memref_slice %arg4[%add3A_240, %dma_wait3A_243] : memref<819200x128xf32, #tpu.memory_space<hbm>> -> memref<400x64xf32, #tpu.memory_space<hbm>>
      tpu.wait_dma2 semaphore(%arg16 : memref<!tpu.dma_semaphore, #tpu.memory_space<semaphore_mem>>) src(%arg8 : memref<400x64xf32, #tpu.memory_space<vmem>>) dst(%dma_wait3A_244 : memref<400x64xf32, #tpu.memory_space<hbm>>)
      %add3A_245 = arith.constant 2 : i32
      %add3A_246 = arith.addi %add3A_221, %add3A_245 : i32
      %dma_start3A_247 = arith.constant 0 : i32
      %dma_start3A_248 = tpu.memref_slice %arg5[%add3A_246, %dma_start3A_247] : memref<64x400xi32, #tpu.memory_space<vmem>> -> memref<1x400xi32, #tpu.memory_space<vmem>>
      %dma_start3A_249 = tpu.memref_squeeze %dma_start3A_248 : memref<1x400xi32, #tpu.memory_space<vmem>> -> memref<400xi32, #tpu.memory_space<vmem>>
      %dma_start3A_250 = arith.constant 0 : i32
      %dma_start3A_251 = arith.constant 0 : i32
      %dma_start3A_252 = tpu.memref_slice %arg3[%dma_start3A_250, %dma_start3A_251] : memref<1000000x64xf32, #tpu.memory_space<hbm>> -> memref<1000000x64xf32, #tpu.memory_space<hbm>>
      tpu.enqueue_indirect_dma source(%dma_start3A_252 : memref<1000000x64xf32, #tpu.memory_space<hbm>>) target(%arg8 : memref<400x64xf32, #tpu.memory_space<vmem>>) offsets(%dma_start3A_249 : memref<400xi32, #tpu.memory_space<vmem>>) semaphore(%arg12 : memref<!tpu.dma_semaphore, #tpu.memory_space<semaphore_mem>>)
      %mul3A_253 = arith.constant 4 : i32
      %mul3A_254 = arith.muli %add3A_217, %mul3A_253 : i32
      %add3A_255 = arith.constant 1 : i32
      %add3A_256 = arith.addi %mul3A_254, %add3A_255 : i32
      %dma_wait3A_257 = arith.constant 0 : i32
      %dma_wait3A_258 = tpu.memref_slice %arg5[%add3A_256, %dma_wait3A_257] : memref<64x400xi32, #tpu.memory_space<vmem>> -> memref<1x400xi32, #tpu.memory_space<vmem>>
      %dma_wait3A_259 = tpu.memref_squeeze %dma_wait3A_258 : memref<1x400xi32, #tpu.memory_space<vmem>> -> memref<400xi32, #tpu.memory_space<vmem>>
      %dma_wait3A_260 = arith.constant 0 : i32
      %dma_wait3A_261 = arith.constant 0 : i32
      %dma_wait3A_262 = tpu.memref_slice %arg3[%dma_wait3A_260, %dma_wait3A_261] : memref<1000000x64xf32, #tpu.memory_space<hbm>> -> memref<1000000x64xf32, #tpu.memory_space<hbm>>
      tpu.wait_indirect_dma semaphore(%arg11 : memref<!tpu.dma_semaphore, #tpu.memory_space<semaphore_mem>>) src(%dma_wait3A_262 : memref<1000000x64xf32, #tpu.memory_space<hbm>>) dst(%arg7 : memref<400x64xf32, #tpu.memory_space<vmem>>)
      %mul3A_263 = arith.constant 400 : i32
      %mul3A_264 = arith.muli %add3A_256, %mul3A_263 : i32
      %add3A_265 = arith.addi %mul3A_2, %mul3A_264 : i32
      %dma_start3A_266 = arith.constant 0 : i32
      %dma_start3A_267 = tpu.memref_slice %arg4[%add3A_265, %dma_start3A_266] : memref<819200x128xf32, #tpu.memory_space<hbm>> -> memref<400x64xf32, #tpu.memory_space<hbm>>
      %dma_start3A_268 = arith.constant 0 : i32
      %dma_start3A_269 = tpu.memref_slice %arg4[%add3A_265, %dma_start3A_268] : memref<819200x128xf32, #tpu.memory_space<hbm>> -> memref<400x64xf32, #tpu.memory_space<hbm>>
      tpu.enqueue_dma source(%arg7 : memref<400x64xf32, #tpu.memory_space<vmem>>) target(%dma_start3A_269 : memref<400x64xf32, #tpu.memory_space<hbm>>) target_semaphore(%arg15 : memref<!tpu.dma_semaphore, #tpu.memory_space<semaphore_mem>>)
      %add3A_270 = arith.constant 2 : i32
      %add3A_271 = arith.addi %add3A_256, %add3A_270 : i32
      %sub3A_272 = arith.constant 4 : i32
      %sub3A_273 = arith.subi %add3A_271, %sub3A_272 : i32
      %mul3A_274 = arith.constant 400 : i32
      %mul3A_275 = arith.muli %sub3A_273, %mul3A_274 : i32
      %add3A_276 = arith.addi %mul3A_2, %mul3A_275 : i32
      %dma_wait3A_277 = arith.constant 0 : i32
      %dma_wait3A_278 = tpu.memref_slice %arg4[%add3A_276, %dma_wait3A_277] : memref<819200x128xf32, #tpu.memory_space<hbm>> -> memref<400x64xf32, #tpu.memory_space<hbm>>
      %dma_wait3A_279 = arith.constant 0 : i32
      %dma_wait3A_280 = tpu.memref_slice %arg4[%add3A_276, %dma_wait3A_279] : memref<819200x128xf32, #tpu.memory_space<hbm>> -> memref<400x64xf32, #tpu.memory_space<hbm>>
      tpu.wait_dma2 semaphore(%arg17 : memref<!tpu.dma_semaphore, #tpu.memory_space<semaphore_mem>>) src(%arg9 : memref<400x64xf32, #tpu.memory_space<vmem>>) dst(%dma_wait3A_280 : memref<400x64xf32, #tpu.memory_space<hbm>>)
      %add3A_281 = arith.constant 2 : i32
      %add3A_282 = arith.addi %add3A_256, %add3A_281 : i32
      %dma_start3A_283 = arith.constant 0 : i32
      %dma_start3A_284 = tpu.memref_slice %arg5[%add3A_282, %dma_start3A_283] : memref<64x400xi32, #tpu.memory_space<vmem>> -> memref<1x400xi32, #tpu.memory_space<vmem>>
      %dma_start3A_285 = tpu.memref_squeeze %dma_start3A_284 : memref<1x400xi32, #tpu.memory_space<vmem>> -> memref<400xi32, #tpu.memory_space<vmem>>
      %dma_start3A_286 = arith.constant 0 : i32
      %dma_start3A_287 = arith.constant 0 : i32
      %dma_start3A_288 = tpu.memref_slice %arg3[%dma_start3A_286, %dma_start3A_287] : memref<1000000x64xf32, #tpu.memory_space<hbm>> -> memref<1000000x64xf32, #tpu.memory_space<hbm>>
      tpu.enqueue_indirect_dma source(%dma_start3A_288 : memref<1000000x64xf32, #tpu.memory_space<hbm>>) target(%arg9 : memref<400x64xf32, #tpu.memory_space<vmem>>) offsets(%dma_start3A_285 : memref<400xi32, #tpu.memory_space<vmem>>) semaphore(%arg13 : memref<!tpu.dma_semaphore, #tpu.memory_space<semaphore_mem>>)
      %mul3A_289 = arith.constant 4 : i32
      %mul3A_290 = arith.muli %add3A_217, %mul3A_289 : i32
      %add3A_291 = arith.constant 2 : i32
      %add3A_292 = arith.addi %mul3A_290, %add3A_291 : i32
      %dma_wait3A_293 = arith.constant 0 : i32
      %dma_wait3A_294 = tpu.memref_slice %arg5[%add3A_292, %dma_wait3A_293] : memref<64x400xi32, #tpu.memory_space<vmem>> -> memref<1x400xi32, #tpu.memory_space<vmem>>
      %dma_wait3A_295 = tpu.memref_squeeze %dma_wait3A_294 : memref<1x400xi32, #tpu.memory_space<vmem>> -> memref<400xi32, #tpu.memory_space<vmem>>
      %dma_wait3A_296 = arith.constant 0 : i32
      %dma_wait3A_297 = arith.constant 0 : i32
      %dma_wait3A_298 = tpu.memref_slice %arg3[%dma_wait3A_296, %dma_wait3A_297] : memref<1000000x64xf32, #tpu.memory_space<hbm>> -> memref<1000000x64xf32, #tpu.memory_space<hbm>>
      tpu.wait_indirect_dma semaphore(%arg12 : memref<!tpu.dma_semaphore, #tpu.memory_space<semaphore_mem>>) src(%dma_wait3A_298 : memref<1000000x64xf32, #tpu.memory_space<hbm>>) dst(%arg8 : memref<400x64xf32, #tpu.memory_space<vmem>>)
      %mul3A_299 = arith.constant 400 : i32
      %mul3A_300 = arith.muli %add3A_292, %mul3A_299 : i32
      %add3A_301 = arith.addi %mul3A_2, %mul3A_300 : i32
      %dma_start3A_302 = arith.constant 0 : i32
      %dma_start3A_303 = tpu.memref_slice %arg4[%add3A_301, %dma_start3A_302] : memref<819200x128xf32, #tpu.memory_space<hbm>> -> memref<400x64xf32, #tpu.memory_space<hbm>>
      %dma_start3A_304 = arith.constant 0 : i32
      %dma_start3A_305 = tpu.memref_slice %arg4[%add3A_301, %dma_start3A_304] : memref<819200x128xf32, #tpu.memory_space<hbm>> -> memref<400x64xf32, #tpu.memory_space<hbm>>
      tpu.enqueue_dma source(%arg8 : memref<400x64xf32, #tpu.memory_space<vmem>>) target(%dma_start3A_305 : memref<400x64xf32, #tpu.memory_space<hbm>>) target_semaphore(%arg16 : memref<!tpu.dma_semaphore, #tpu.memory_space<semaphore_mem>>)
      %add3A_306 = arith.constant 2 : i32
      %add3A_307 = arith.addi %add3A_292, %add3A_306 : i32
      %sub3A_308 = arith.constant 4 : i32
      %sub3A_309 = arith.subi %add3A_307, %sub3A_308 : i32
      %mul3A_310 = arith.constant 400 : i32
      %mul3A_311 = arith.muli %sub3A_309, %mul3A_310 : i32
      %add3A_312 = arith.addi %mul3A_2, %mul3A_311 : i32
      %dma_wait3A_313 = arith.constant 0 : i32
      %dma_wait3A_314 = tpu.memref_slice %arg4[%add3A_312, %dma_wait3A_313] : memref<819200x128xf32, #tpu.memory_space<hbm>> -> memref<400x64xf32, #tpu.memory_space<hbm>>
      %dma_wait3A_315 = arith.constant 0 : i32
      %dma_wait3A_316 = tpu.memref_slice %arg4[%add3A_312, %dma_wait3A_315] : memref<819200x128xf32, #tpu.memory_space<hbm>> -> memref<400x64xf32, #tpu.memory_space<hbm>>
      tpu.wait_dma2 semaphore(%arg14 : memref<!tpu.dma_semaphore, #tpu.memory_space<semaphore_mem>>) src(%arg6 : memref<400x64xf32, #tpu.memory_space<vmem>>) dst(%dma_wait3A_316 : memref<400x64xf32, #tpu.memory_space<hbm>>)
      %add3A_317 = arith.constant 2 : i32
      %add3A_318 = arith.addi %add3A_292, %add3A_317 : i32
      %dma_start3A_319 = arith.constant 0 : i32
      %dma_start3A_320 = tpu.memref_slice %arg5[%add3A_318, %dma_start3A_319] : memref<64x400xi32, #tpu.memory_space<vmem>> -> memref<1x400xi32, #tpu.memory_space<vmem>>
      %dma_start3A_321 = tpu.memref_squeeze %dma_start3A_320 : memref<1x400xi32, #tpu.memory_space<vmem>> -> memref<400xi32, #tpu.memory_space<vmem>>
      %dma_start3A_322 = arith.constant 0 : i32
      %dma_start3A_323 = arith.constant 0 : i32
      %dma_start3A_324 = tpu.memref_slice %arg3[%dma_start3A_322, %dma_start3A_323] : memref<1000000x64xf32, #tpu.memory_space<hbm>> -> memref<1000000x64xf32, #tpu.memory_space<hbm>>
      tpu.enqueue_indirect_dma source(%dma_start3A_324 : memref<1000000x64xf32, #tpu.memory_space<hbm>>) target(%arg6 : memref<400x64xf32, #tpu.memory_space<vmem>>) offsets(%dma_start3A_321 : memref<400xi32, #tpu.memory_space<vmem>>) semaphore(%arg10 : memref<!tpu.dma_semaphore, #tpu.memory_space<semaphore_mem>>)
      %mul3A_325 = arith.constant 4 : i32
      %mul3A_326 = arith.muli %add3A_217, %mul3A_325 : i32
      %add3A_327 = arith.constant 3 : i32
      %add3A_328 = arith.addi %mul3A_326, %add3A_327 : i32
      %dma_wait3A_329 = arith.constant 0 : i32
      %dma_wait3A_330 = tpu.memref_slice %arg5[%add3A_328, %dma_wait3A_329] : memref<64x400xi32, #tpu.memory_space<vmem>> -> memref<1x400xi32, #tpu.memory_space<vmem>>
      %dma_wait3A_331 = tpu.memref_squeeze %dma_wait3A_330 : memref<1x400xi32, #tpu.memory_space<vmem>> -> memref<400xi32, #tpu.memory_space<vmem>>
      %dma_wait3A_332 = arith.constant 0 : i32
      %dma_wait3A_333 = arith.constant 0 : i32
      %dma_wait3A_334 = tpu.memref_slice %arg3[%dma_wait3A_332, %dma_wait3A_333] : memref<1000000x64xf32, #tpu.memory_space<hbm>> -> memref<1000000x64xf32, #tpu.memory_space<hbm>>
      tpu.wait_indirect_dma semaphore(%arg13 : memref<!tpu.dma_semaphore, #tpu.memory_space<semaphore_mem>>) src(%dma_wait3A_334 : memref<1000000x64xf32, #tpu.memory_space<hbm>>) dst(%arg9 : memref<400x64xf32, #tpu.memory_space<vmem>>)
      %mul3A_335 = arith.constant 400 : i32
      %mul3A_336 = arith.muli %add3A_328, %mul3A_335 : i32
      %add3A_337 = arith.addi %mul3A_2, %mul3A_336 : i32
      %dma_start3A_338 = arith.constant 0 : i32
      %dma_start3A_339 = tpu.memref_slice %arg4[%add3A_337, %dma_start3A_338] : memref<819200x128xf32, #tpu.memory_space<hbm>> -> memref<400x64xf32, #tpu.memory_space<hbm>>
      %dma_start3A_340 = arith.constant 0 : i32
      %dma_start3A_341 = tpu.memref_slice %arg4[%add3A_337, %dma_start3A_340] : memref<819200x128xf32, #tpu.memory_space<hbm>> -> memref<400x64xf32, #tpu.memory_space<hbm>>
      tpu.enqueue_dma source(%arg9 : memref<400x64xf32, #tpu.memory_space<vmem>>) target(%dma_start3A_341 : memref<400x64xf32, #tpu.memory_space<hbm>>) target_semaphore(%arg17 : memref<!tpu.dma_semaphore, #tpu.memory_space<semaphore_mem>>)
      %add3A_342 = arith.constant 2 : i32
      %add3A_343 = arith.addi %add3A_328, %add3A_342 : i32
      %sub3A_344 = arith.constant 4 : i32
      %sub3A_345 = arith.subi %add3A_343, %sub3A_344 : i32
      %mul3A_346 = arith.constant 400 : i32
      %mul3A_347 = arith.muli %sub3A_345, %mul3A_346 : i32
      %add3A_348 = arith.addi %mul3A_2, %mul3A_347 : i32
      %dma_wait3A_349 = arith.constant 0 : i32
      %dma_wait3A_350 = tpu.memref_slice %arg4[%add3A_348, %dma_wait3A_349] : memref<819200x128xf32, #tpu.memory_space<hbm>> -> memref<400x64xf32, #tpu.memory_space<hbm>>
      %dma_wait3A_351 = arith.constant 0 : i32
      %dma_wait3A_352 = tpu.memref_slice %arg4[%add3A_348, %dma_wait3A_351] : memref<819200x128xf32, #tpu.memory_space<hbm>> -> memref<400x64xf32, #tpu.memory_space<hbm>>
      tpu.wait_dma2 semaphore(%arg15 : memref<!tpu.dma_semaphore, #tpu.memory_space<semaphore_mem>>) src(%arg7 : memref<400x64xf32, #tpu.memory_space<vmem>>) dst(%dma_wait3A_352 : memref<400x64xf32, #tpu.memory_space<hbm>>)
      %add3A_353 = arith.constant 2 : i32
      %add3A_354 = arith.addi %add3A_328, %add3A_353 : i32
      %dma_start3A_355 = arith.constant 0 : i32
      %dma_start3A_356 = tpu.memref_slice %arg5[%add3A_354, %dma_start3A_355] : memref<64x400xi32, #tpu.memory_space<vmem>> -> memref<1x400xi32, #tpu.memory_space<vmem>>
      %dma_start3A_357 = tpu.memref_squeeze %dma_start3A_356 : memref<1x400xi32, #tpu.memory_space<vmem>> -> memref<400xi32, #tpu.memory_space<vmem>>
      %dma_start3A_358 = arith.constant 0 : i32
      %dma_start3A_359 = arith.constant 0 : i32
      %dma_start3A_360 = tpu.memref_slice %arg3[%dma_start3A_358, %dma_start3A_359] : memref<1000000x64xf32, #tpu.memory_space<hbm>> -> memref<1000000x64xf32, #tpu.memory_space<hbm>>
      tpu.enqueue_indirect_dma source(%dma_start3A_360 : memref<1000000x64xf32, #tpu.memory_space<hbm>>) target(%arg7 : memref<400x64xf32, #tpu.memory_space<vmem>>) offsets(%dma_start3A_357 : memref<400xi32, #tpu.memory_space<vmem>>) semaphore(%arg11 : memref<!tpu.dma_semaphore, #tpu.memory_space<semaphore_mem>>)
    }
    %scan3A_110 = arith.constant 14 : i32
    %dma_wait3A_111 = arith.constant 60 : i32
    %dma_wait3A_112 = arith.constant 0 : i32
    %dma_wait3A_113 = tpu.memref_slice %arg5[%dma_wait3A_111, %dma_wait3A_112] : memref<64x400xi32, #tpu.memory_space<vmem>> -> memref<1x400xi32, #tpu.memory_space<vmem>>
    %dma_wait3A_114 = tpu.memref_squeeze %dma_wait3A_113 : memref<1x400xi32, #tpu.memory_space<vmem>> -> memref<400xi32, #tpu.memory_space<vmem>>
    %dma_wait3A_115 = arith.constant 0 : i32
    %dma_wait3A_116 = arith.constant 0 : i32
    %dma_wait3A_117 = tpu.memref_slice %arg3[%dma_wait3A_115, %dma_wait3A_116] : memref<1000000x64xf32, #tpu.memory_space<hbm>> -> memref<1000000x64xf32, #tpu.memory_space<hbm>>
    tpu.wait_indirect_dma semaphore(%arg10 : memref<!tpu.dma_semaphore, #tpu.memory_space<semaphore_mem>>) src(%dma_wait3A_117 : memref<1000000x64xf32, #tpu.memory_space<hbm>>) dst(%arg6 : memref<400x64xf32, #tpu.memory_space<vmem>>)
    %add3A_118 = arith.constant 24000 : i32
    %add3A_119 = arith.addi %mul3A_2, %add3A_118 : i32
    %dma_start3A_120 = arith.constant 0 : i32
    %dma_start3A_121 = tpu.memref_slice %arg4[%add3A_119, %dma_start3A_120] : memref<819200x128xf32, #tpu.memory_space<hbm>> -> memref<400x64xf32, #tpu.memory_space<hbm>>
    %dma_start3A_122 = arith.constant 0 : i32
    %dma_start3A_123 = tpu.memref_slice %arg4[%add3A_119, %dma_start3A_122] : memref<819200x128xf32, #tpu.memory_space<hbm>> -> memref<400x64xf32, #tpu.memory_space<hbm>>
    tpu.enqueue_dma source(%arg6 : memref<400x64xf32, #tpu.memory_space<vmem>>) target(%dma_start3A_123 : memref<400x64xf32, #tpu.memory_space<hbm>>) target_semaphore(%arg14 : memref<!tpu.dma_semaphore, #tpu.memory_space<semaphore_mem>>)
    %add3A_124 = arith.constant 23200 : i32
    %add3A_125 = arith.addi %mul3A_2, %add3A_124 : i32
    %dma_wait3A_126 = arith.constant 0 : i32
    %dma_wait3A_127 = tpu.memref_slice %arg4[%add3A_125, %dma_wait3A_126] : memref<819200x128xf32, #tpu.memory_space<hbm>> -> memref<400x64xf32, #tpu.memory_space<hbm>>
    %dma_wait3A_128 = arith.constant 0 : i32
    %dma_wait3A_129 = tpu.memref_slice %arg4[%add3A_125, %dma_wait3A_128] : memref<819200x128xf32, #tpu.memory_space<hbm>> -> memref<400x64xf32, #tpu.memory_space<hbm>>
    tpu.wait_dma2 semaphore(%arg16 : memref<!tpu.dma_semaphore, #tpu.memory_space<semaphore_mem>>) src(%arg8 : memref<400x64xf32, #tpu.memory_space<vmem>>) dst(%dma_wait3A_129 : memref<400x64xf32, #tpu.memory_space<hbm>>)
    %dma_start3A_130 = arith.constant 62 : i32
    %dma_start3A_131 = arith.constant 0 : i32
    %dma_start3A_132 = tpu.memref_slice %arg5[%dma_start3A_130, %dma_start3A_131] : memref<64x400xi32, #tpu.memory_space<vmem>> -> memref<1x400xi32, #tpu.memory_space<vmem>>
    %dma_start3A_133 = tpu.memref_squeeze %dma_start3A_132 : memref<1x400xi32, #tpu.memory_space<vmem>> -> memref<400xi32, #tpu.memory_space<vmem>>
    %dma_start3A_134 = arith.constant 0 : i32
    %dma_start3A_135 = arith.constant 0 : i32
    %dma_start3A_136 = tpu.memref_slice %arg3[%dma_start3A_134, %dma_start3A_135] : memref<1000000x64xf32, #tpu.memory_space<hbm>> -> memref<1000000x64xf32, #tpu.memory_space<hbm>>
    tpu.enqueue_indirect_dma source(%dma_start3A_136 : memref<1000000x64xf32, #tpu.memory_space<hbm>>) target(%arg8 : memref<400x64xf32, #tpu.memory_space<vmem>>) offsets(%dma_start3A_133 : memref<400xi32, #tpu.memory_space<vmem>>) semaphore(%arg12 : memref<!tpu.dma_semaphore, #tpu.memory_space<semaphore_mem>>)
    %dma_wait3A_137 = arith.constant 61 : i32
    %dma_wait3A_138 = arith.constant 0 : i32
    %dma_wait3A_139 = tpu.memref_slice %arg5[%dma_wait3A_137, %dma_wait3A_138] : memref<64x400xi32, #tpu.memory_space<vmem>> -> memref<1x400xi32, #tpu.memory_space<vmem>>
    %dma_wait3A_140 = tpu.memref_squeeze %dma_wait3A_139 : memref<1x400xi32, #tpu.memory_space<vmem>> -> memref<400xi32, #tpu.memory_space<vmem>>
    %dma_wait3A_141 = arith.constant 0 : i32
    %dma_wait3A_142 = arith.constant 0 : i32
    %dma_wait3A_143 = tpu.memref_slice %arg3[%dma_wait3A_141, %dma_wait3A_142] : memref<1000000x64xf32, #tpu.memory_space<hbm>> -> memref<1000000x64xf32, #tpu.memory_space<hbm>>
    tpu.wait_indirect_dma semaphore(%arg11 : memref<!tpu.dma_semaphore, #tpu.memory_space<semaphore_mem>>) src(%dma_wait3A_143 : memref<1000000x64xf32, #tpu.memory_space<hbm>>) dst(%arg7 : memref<400x64xf32, #tpu.memory_space<vmem>>)
    %add3A_144 = arith.constant 24400 : i32
    %add3A_145 = arith.addi %mul3A_2, %add3A_144 : i32
    %dma_start3A_146 = arith.constant 0 : i32
    %dma_start3A_147 = tpu.memref_slice %arg4[%add3A_145, %dma_start3A_146] : memref<819200x128xf32, #tpu.memory_space<hbm>> -> memref<400x64xf32, #tpu.memory_space<hbm>>
    %dma_start3A_148 = arith.constant 0 : i32
    %dma_start3A_149 = tpu.memref_slice %arg4[%add3A_145, %dma_start3A_148] : memref<819200x128xf32, #tpu.memory_space<hbm>> -> memref<400x64xf32, #tpu.memory_space<hbm>>
    tpu.enqueue_dma source(%arg7 : memref<400x64xf32, #tpu.memory_space<vmem>>) target(%dma_start3A_149 : memref<400x64xf32, #tpu.memory_space<hbm>>) target_semaphore(%arg15 : memref<!tpu.dma_semaphore, #tpu.memory_space<semaphore_mem>>)
    %add3A_150 = arith.constant 23600 : i32
    %add3A_151 = arith.addi %mul3A_2, %add3A_150 : i32
    %dma_wait3A_152 = arith.constant 0 : i32
    %dma_wait3A_153 = tpu.memref_slice %arg4[%add3A_151, %dma_wait3A_152] : memref<819200x128xf32, #tpu.memory_space<hbm>> -> memref<400x64xf32, #tpu.memory_space<hbm>>
    %dma_wait3A_154 = arith.constant 0 : i32
    %dma_wait3A_155 = tpu.memref_slice %arg4[%add3A_151, %dma_wait3A_154] : memref<819200x128xf32, #tpu.memory_space<hbm>> -> memref<400x64xf32, #tpu.memory_space<hbm>>
    tpu.wait_dma2 semaphore(%arg17 : memref<!tpu.dma_semaphore, #tpu.memory_space<semaphore_mem>>) src(%arg9 : memref<400x64xf32, #tpu.memory_space<vmem>>) dst(%dma_wait3A_155 : memref<400x64xf32, #tpu.memory_space<hbm>>)
    %dma_start3A_156 = arith.constant 63 : i32
    %dma_start3A_157 = arith.constant 0 : i32
    %dma_start3A_158 = tpu.memref_slice %arg5[%dma_start3A_156, %dma_start3A_157] : memref<64x400xi32, #tpu.memory_space<vmem>> -> memref<1x400xi32, #tpu.memory_space<vmem>>
    %dma_start3A_159 = tpu.memref_squeeze %dma_start3A_158 : memref<1x400xi32, #tpu.memory_space<vmem>> -> memref<400xi32, #tpu.memory_space<vmem>>
    %dma_start3A_160 = arith.constant 0 : i32
    %dma_start3A_161 = arith.constant 0 : i32
    %dma_start3A_162 = tpu.memref_slice %arg3[%dma_start3A_160, %dma_start3A_161] : memref<1000000x64xf32, #tpu.memory_space<hbm>> -> memref<1000000x64xf32, #tpu.memory_space<hbm>>
    tpu.enqueue_indirect_dma source(%dma_start3A_162 : memref<1000000x64xf32, #tpu.memory_space<hbm>>) target(%arg9 : memref<400x64xf32, #tpu.memory_space<vmem>>) offsets(%dma_start3A_159 : memref<400xi32, #tpu.memory_space<vmem>>) semaphore(%arg13 : memref<!tpu.dma_semaphore, #tpu.memory_space<semaphore_mem>>)
    %dma_wait3A_163 = arith.constant 62 : i32
    %dma_wait3A_164 = arith.constant 0 : i32
    %dma_wait3A_165 = tpu.memref_slice %arg5[%dma_wait3A_163, %dma_wait3A_164] : memref<64x400xi32, #tpu.memory_space<vmem>> -> memref<1x400xi32, #tpu.memory_space<vmem>>
    %dma_wait3A_166 = tpu.memref_squeeze %dma_wait3A_165 : memref<1x400xi32, #tpu.memory_space<vmem>> -> memref<400xi32, #tpu.memory_space<vmem>>
    %dma_wait3A_167 = arith.constant 0 : i32
    %dma_wait3A_168 = arith.constant 0 : i32
    %dma_wait3A_169 = tpu.memref_slice %arg3[%dma_wait3A_167, %dma_wait3A_168] : memref<1000000x64xf32, #tpu.memory_space<hbm>> -> memref<1000000x64xf32, #tpu.memory_space<hbm>>
    tpu.wait_indirect_dma semaphore(%arg12 : memref<!tpu.dma_semaphore, #tpu.memory_space<semaphore_mem>>) src(%dma_wait3A_169 : memref<1000000x64xf32, #tpu.memory_space<hbm>>) dst(%arg8 : memref<400x64xf32, #tpu.memory_space<vmem>>)
    %add3A_170 = arith.constant 24800 : i32
    %add3A_171 = arith.addi %mul3A_2, %add3A_170 : i32
    %dma_start3A_172 = arith.constant 0 : i32
    %dma_start3A_173 = tpu.memref_slice %arg4[%add3A_171, %dma_start3A_172] : memref<819200x128xf32, #tpu.memory_space<hbm>> -> memref<400x64xf32, #tpu.memory_space<hbm>>
    %dma_start3A_174 = arith.constant 0 : i32
    %dma_start3A_175 = tpu.memref_slice %arg4[%add3A_171, %dma_start3A_174] : memref<819200x128xf32, #tpu.memory_space<hbm>> -> memref<400x64xf32, #tpu.memory_space<hbm>>
    tpu.enqueue_dma source(%arg8 : memref<400x64xf32, #tpu.memory_space<vmem>>) target(%dma_start3A_175 : memref<400x64xf32, #tpu.memory_space<hbm>>) target_semaphore(%arg16 : memref<!tpu.dma_semaphore, #tpu.memory_space<semaphore_mem>>)
    %add3A_176 = arith.constant 24000 : i32
    %add3A_177 = arith.addi %mul3A_2, %add3A_176 : i32
    %dma_wait3A_178 = arith.constant 0 : i32
    %dma_wait3A_179 = tpu.memref_slice %arg4[%add3A_177, %dma_wait3A_178] : memref<819200x128xf32, #tpu.memory_space<hbm>> -> memref<400x64xf32, #tpu.memory_space<hbm>>
    %dma_wait3A_180 = arith.constant 0 : i32
    %dma_wait3A_181 = tpu.memref_slice %arg4[%add3A_177, %dma_wait3A_180] : memref<819200x128xf32, #tpu.memory_space<hbm>> -> memref<400x64xf32, #tpu.memory_space<hbm>>
    tpu.wait_dma2 semaphore(%arg14 : memref<!tpu.dma_semaphore, #tpu.memory_space<semaphore_mem>>) src(%arg6 : memref<400x64xf32, #tpu.memory_space<vmem>>) dst(%dma_wait3A_181 : memref<400x64xf32, #tpu.memory_space<hbm>>)
    %dma_wait3A_182 = arith.constant 63 : i32
    %dma_wait3A_183 = arith.constant 0 : i32
    %dma_wait3A_184 = tpu.memref_slice %arg5[%dma_wait3A_182, %dma_wait3A_183] : memref<64x400xi32, #tpu.memory_space<vmem>> -> memref<1x400xi32, #tpu.memory_space<vmem>>
    %dma_wait3A_185 = tpu.memref_squeeze %dma_wait3A_184 : memref<1x400xi32, #tpu.memory_space<vmem>> -> memref<400xi32, #tpu.memory_space<vmem>>
    %dma_wait3A_186 = arith.constant 0 : i32
    %dma_wait3A_187 = arith.constant 0 : i32
    %dma_wait3A_188 = tpu.memref_slice %arg3[%dma_wait3A_186, %dma_wait3A_187] : memref<1000000x64xf32, #tpu.memory_space<hbm>> -> memref<1000000x64xf32, #tpu.memory_space<hbm>>
    tpu.wait_indirect_dma semaphore(%arg13 : memref<!tpu.dma_semaphore, #tpu.memory_space<semaphore_mem>>) src(%dma_wait3A_188 : memref<1000000x64xf32, #tpu.memory_space<hbm>>) dst(%arg9 : memref<400x64xf32, #tpu.memory_space<vmem>>)
    %add3A_189 = arith.constant 25200 : i32
    %add3A_190 = arith.addi %mul3A_2, %add3A_189 : i32
    %dma_start3A_191 = arith.constant 0 : i32
    %dma_start3A_192 = tpu.memref_slice %arg4[%add3A_190, %dma_start3A_191] : memref<819200x128xf32, #tpu.memory_space<hbm>> -> memref<400x64xf32, #tpu.memory_space<hbm>>
    %dma_start3A_193 = arith.constant 0 : i32
    %dma_start3A_194 = tpu.memref_slice %arg4[%add3A_190, %dma_start3A_193] : memref<819200x128xf32, #tpu.memory_space<hbm>> -> memref<400x64xf32, #tpu.memory_space<hbm>>
    tpu.enqueue_dma source(%arg9 : memref<400x64xf32, #tpu.memory_space<vmem>>) target(%dma_start3A_194 : memref<400x64xf32, #tpu.memory_space<hbm>>) target_semaphore(%arg17 : memref<!tpu.dma_semaphore, #tpu.memory_space<semaphore_mem>>)
    %add3A_195 = arith.constant 24400 : i32
    %add3A_196 = arith.addi %mul3A_2, %add3A_195 : i32
    %dma_wait3A_197 = arith.constant 0 : i32
    %dma_wait3A_198 = tpu.memref_slice %arg4[%add3A_196, %dma_wait3A_197] : memref<819200x128xf32, #tpu.memory_space<hbm>> -> memref<400x64xf32, #tpu.memory_space<hbm>>
    %dma_wait3A_199 = arith.constant 0 : i32
    %dma_wait3A_200 = tpu.memref_slice %arg4[%add3A_196, %dma_wait3A_199] : memref<819200x128xf32, #tpu.memory_space<hbm>> -> memref<400x64xf32, #tpu.memory_space<hbm>>
    tpu.wait_dma2 semaphore(%arg15 : memref<!tpu.dma_semaphore, #tpu.memory_space<semaphore_mem>>) src(%arg7 : memref<400x64xf32, #tpu.memory_space<vmem>>) dst(%dma_wait3A_200 : memref<400x64xf32, #tpu.memory_space<hbm>>)
    %add3A_201 = arith.constant 24800 : i32
    %add3A_202 = arith.addi %mul3A_2, %add3A_201 : i32
    %dma_wait3A_203 = arith.constant 0 : i32
    %dma_wait3A_204 = tpu.memref_slice %arg4[%add3A_202, %dma_wait3A_203] : memref<819200x128xf32, #tpu.memory_space<hbm>> -> memref<400x64xf32, #tpu.memory_space<hbm>>
    %dma_wait3A_205 = arith.constant 0 : i32
    %dma_wait3A_206 = tpu.memref_slice %arg4[%add3A_202, %dma_wait3A_205] : memref<819200x128xf32, #tpu.memory_space<hbm>> -> memref<400x64xf32, #tpu.memory_space<hbm>>
    tpu.wait_dma2 semaphore(%arg16 : memref<!tpu.dma_semaphore, #tpu.memory_space<semaphore_mem>>) src(%arg8 : memref<400x64xf32, #tpu.memory_space<vmem>>) dst(%dma_wait3A_206 : memref<400x64xf32, #tpu.memory_space<hbm>>)
    %add3A_207 = arith.constant 25200 : i32
    %add3A_208 = arith.addi %mul3A_2, %add3A_207 : i32
    %dma_wait3A_209 = arith.constant 0 : i32
    %dma_wait3A_210 = tpu.memref_slice %arg4[%add3A_208, %dma_wait3A_209] : memref<819200x128xf32, #tpu.memory_space<hbm>> -> memref<400x64xf32, #tpu.memory_space<hbm>>
    %dma_wait3A_211 = arith.constant 0 : i32
    %dma_wait3A_212 = tpu.memref_slice %arg4[%add3A_208, %dma_wait3A_211] : memref<819200x128xf32, #tpu.memory_space<hbm>> -> memref<400x64xf32, #tpu.memory_space<hbm>>
    tpu.wait_dma2 semaphore(%arg17 : memref<!tpu.dma_semaphore, #tpu.memory_space<semaphore_mem>>) src(%arg9 : memref<400x64xf32, #tpu.memory_space<vmem>>) dst(%dma_wait3A_212 : memref<400x64xf32, #tpu.memory_space<hbm>>)
    return
  }
}

</mosaic_0001>

<sc_bundles>
// kernel: kernel.3.cloned.1.call-start
scs
__scs_entry_jumppad:
0x0: {  	(pc) =	sbr.rel $0x88, $3  }
0x1: {  	(tag) =	ssettag $0x0;
	lr =	simm.s32 $0x1  }
0x2: {  	[smem:$0x3F9F] =	sst lr;
	_ =	strace $0xD0000000  }
0x3: {  	_ = 	snop  }
0x4: {  	_ = 	snop  }
0x5: {  	_ = 	snop  }
0x6: {  	_ = 	snop  }
0x7: {  	_ = 	snop  }
__scs_overlays_trampoline_lowered:
0x8: {  	[smem:$0x3FAE] =	sst s0  }
0x9: {  	[smem:$0x3FAF] =	sst s1  }
0xa: {  	[smem:$0x3FB0] =	sst s2  }
0xb: {  	[smem:$0x3FB1] =	sst s3  }
0xc: {  	[smem:$0x3FB2] =	sst s4  }
0xd: {  	[smem:$0x3FB3] =	sst s5  }
0xe: {  	[smem:$0x3FB4] =	sst s6  }
0xf: {  	[smem:$0x3FB5] =	sst s7  }
0x10: {  	[smem:$0x3FB6] =	sst s8  }
0x11: {  	[smem:$0x3FB7] =	sst s9;
	s0 =	simm.s32 @!p0 $0x0  }
0x12: {  	s1 =	sld [smem:$0x3F9D];
	s0 =	simm.s32 @p0 $0x1  }
0x13: {  	[smem:$0x3FB8] =	sst s0;
	s0 =	simm.s32 @!p1 $0x0  }
0x14: {  	s2 =	sld [smem:$0x3F9C];
	s0 =	simm.s32 @p1 $0x1  }
0x15: {  	[smem:$0x3FB9] =	sst s0;
	s0 =	simm.s32 @!p2 $0x0  }
0x16: {  	s3 =	sld [smem:$0x3FDB];
	s0 =	simm.s32 @p2 $0x1  }
0x17: {  	s4 =	simm.s32 $0x1BF5;
	[smem:$0x3FBB] =	sst s0  }
0x18: {  	s0 =	sld [smem:$0x3F9E];
	_ =	swait.ge [sflag:s4], $0x0  }
0x19: {  	s7 =	sld [smem:$0x3F9F]  }
0x1a: {  	s8 =	sadd.s32 $0xFFFFE003, lr  }
0x1b: {  	s9 =	sadd.s32 $0xFFFFFEF7, lr;
	s5 =	simm.s32 $0xFFFFFFFF;
	p2 =	slt.u32 s8, $0xFFFFF086  }
0x1c: {  	p1 =	slt.u32 s9, $0xF7A;
	s5 =	simm.s32 @!p2 $0x0  }
0x1d: {  	s5 =	simm.s32 @p1 $0x1;
	p0 =	seq.s32 s7, s2  }
0x1e: {  	s7 =	smul.u32 @!p0 $0xF7A, s2;
	p2 =	seq.s32 @!p0 s5, $0x0  }
0x1f: {  	s9 =	smul.u32 $0xF7A, s1;
	s8 =	simm.s32 @!p0 $0x1BF5;
	p2 =	por !p2, p0  }
0x20: {  	[sflag:s8] =	ssyncset.s32 @!p0 $0xFFFFF086;
	s6 =	sadd.s32 @!p0 s3, s7;
	s7 =	simm.s32 @!p0 $0x108  }
0x21: {  	s3 =	sadd.s32 s3, s9;
	s6 =	sadd.s32 @!p0 $0x88, s6;
	s7 =	simm.s32 @p2 $0x1082  }
0x22: {  	[simem:s7], [sflag:s8] =	dma.local @!p0 [hbm:s6], $0xF7A  }
0x23: {  	s9 =	sor.u32 $0xD0000000, s2;
	s6 =	simm.s32 $0x108;
	_ =	swait.ge @!p0 [sflag:s8], $0x0  }
0x24: {  	s3 =	sadd.s32 $0x88, s3;
	s6 =	simm.s32 @!p1 $0x1082;
	[sflag:s4] =	ssyncset.s32 $0xFFFFF086  }
0x25: {  	[simem:s6], [sflag:s4] =	dma.local [hbm:s3], $0xF7A  }
0x26: {  	[smem:$0x3F9F] =	sst s1;
	(tag) =	ssettag s2;
	_ =	strace s9  }
0x27: {  	s1 =	sld [smem:$0x3FAF]  }
0x28: {  	s2 =	sld [smem:$0x3FB0]  }
0x29: {  	s4 =	sld [smem:$0x3FB2]  }
0x2a: {  	p0 =	seq.s32 s5, $0x0;
	s5 =	sld [smem:$0x3FB3]  }
0x2b: {  	s6 =	sld [smem:$0x3FB4]  }
0x2c: {  	s7 =	sld [smem:$0x3FB5]  }
0x2d: {  	s3 =	simm.s32 $0x108;
	s8 =	sld [smem:$0x3FB6]  }
0x2e: {  	s3 =	simm.s32 @!p0 $0x1082;
	s9 =	sld [smem:$0x3FB7]  }
0x2f: {  	lr =	sadd.s32 s0, s3;
	s0 =	sld [smem:$0x3FAE]  }
0x30: {  	s3 =	sld [smem:$0x3FB1]  }
0x31: {  	[smem:$0x3FBA] =	sst s10  }
0x32: {  	s10 =	sld [smem:$0x3FB8];
	_ =	sdelay $0x3  }
0x33: {  	p0 =	seq.s32 s10, $0x1;
	s10 =	sld [smem:$0x3FBA];
	_ =	sdelay $0x3  }
0x34: {  	[smem:$0x3FBA] =	sst s10  }
0x35: {  	s10 =	sld [smem:$0x3FB9];
	_ =	sdelay $0x3  }
0x36: {  	p1 =	seq.s32 s10, $0x1;
	s10 =	sld [smem:$0x3FBA];
	_ =	sdelay $0x3  }
0x37: {  	[smem:$0x3FBA] =	sst s10  }
0x38: {  	s10 =	sld [smem:$0x3FBB]  }
0x39: {  	_ = 	snop;
	(pc) =	sbr.ind lr, $3  }
0x3a: {  	_ = 	snop  }
0x3b: {  	_ = 	snop  }
0x3c: {  	p2 =	seq.s32 s10, $0x1;
	s10 =	sld [smem:$0x3FBA]  }
0x3d: {  	_ =	shalt  }
0x3e: {  	_ =	shalt  }
0x3f: {  	_ =	shalt  }
0x40: {  	_ =	shalt  }
0x41: {  	_ =	shalt  }
0x42: {  	_ =	shalt  }
0x43: {  	_ =	shalt  }
0x44: {  	_ =	shalt  }
0x45: {  	_ =	shalt  }
0x46: {  	_ =	shalt  }
0x47: {  	_ =	shalt  }
0x48: {  	_ =	shalt  }
0x49: {  	_ =	shalt  }
0x4a: {  	_ =	shalt  }
0x4b: {  	_ =	shalt  }
0x4c: {  	_ =	shalt  }
0x4d: {  	_ =	shalt  }
0x4e: {  	_ =	shalt  }
0x4f: {  	_ =	shalt  }
0x50: {  	_ =	shalt  }
0x51: {  	_ =	shalt  }
0x52: {  	_ =	shalt  }
0x53: {  	_ =	shalt  }
0x54: {  	_ =	shalt  }
0x55: {  	_ =	shalt  }
0x56: {  	_ =	shalt  }
0x57: {  	_ =	shalt  }
0x58: {  	_ =	shalt  }
0x59: {  	_ =	shalt  }
0x5a: {  	_ =	shalt  }
0x5b: {  	_ =	shalt  }
0x5c: {  	_ =	shalt  }
0x5d: {  	_ =	shalt  }
0x5e: {  	_ =	shalt  }
0x5f: {  	_ =	shalt  }
0x60: {  	_ =	shalt  }
0x61: {  	_ =	shalt  }
0x62: {  	_ =	shalt  }
0x63: {  	_ =	shalt  }
0x64: {  	_ =	shalt  }
0x65: {  	_ =	shalt  }
0x66: {  	_ =	shalt  }
0x67: {  	_ =	shalt  }
0x68: {  	_ =	shalt  }
0x69: {  	_ =	shalt  }
0x6a: {  	_ =	shalt  }
0x6b: {  	_ =	shalt  }
0x6c: {  	_ =	shalt  }
0x6d: {  	_ =	shalt  }
0x6e: {  	_ =	shalt  }
0x6f: {  	_ =	shalt  }
0x70: {  	_ =	shalt  }
0x71: {  	_ =	shalt  }
0x72: {  	_ =	shalt  }
0x73: {  	_ =	shalt  }
0x74: {  	_ =	shalt  }
0x75: {  	_ =	shalt  }
0x76: {  	_ =	shalt  }
0x77: {  	_ =	shalt  }
0x78: {  	_ =	shalt  }
0x79: {  	_ =	shalt  }
0x7a: {  	_ =	shalt  }
0x7b: {  	_ =	shalt  }
0x7c: {  	_ =	shalt  }
0x7d: {  	_ =	shalt  }
0x7e: {  	_ =	shalt  }
0x7f: {  	_ =	shalt  }
0x80: {  	_ =	shalt  }
0x81: {  	_ =	shalt  }
0x82: {  	_ =	shalt  }
0x83: {  	_ =	shalt  }
0x84: {  	_ =	shalt  }
0x85: {  	_ =	shalt  }
0x86: {  	_ =	shalt  }
0x87: {  	_ =	shalt  }
.Lfunc_end0:
.L_simem_size_0:
called_computation.1_lowered:
.L_overlay_start_0:
0x88: {  	s2 =	sld [smem:$0x3FD9]  }
0x89: {  	s3 =	sld [smem:$0x3FFE];
	_ =	sdelay $0x1  }
0x8a: {  	s1 =	srdreg.scid  }
0x8b: {  	s0 =	sand.u32 $0x1, s1  }
0x8c: {  	s17 =	sshll.u32 s0, $0xA;
	s2 =	sadd.s32 s3, s2  }
0x8d: {  	s2 =	sadd.s32 s2, s17  }
0x8e: {  	[smem:$0x3FC6] =	sst s2  }
0x8f: {  	_ = 	snop  }
0x90: {  	s2 =	sld [smem:$0x3FD0];
	(tm) =	ssettm $0x1  }
0x91: {  	s18 =	sld [smem:$0x3FFB];
	_ =	sdelay $0x3  }
0x92: {  	_ =	strace s18  }
0x93: {  	s3 =	sld [smem:$0x3FFC];
	_ =	sdelay $0x3  }
0x94: {  	_ =	strace s3  }
0x95: {  	s3 =	sld [smem:$0x3FFD];
	_ =	sdelay $0x3  }
0x96: {  	_ =	strace s3  }
0x97: {  	_ =	strace $0x8FFFFFFF  }
0x98: {  	s19 =	sld [smem:$0x3FDB];
	_ =	sdelay $0x1  }
0x99: {  	s4 =	simm.s32 $_scs_section_size  }
0x9a: {  	s5 =	simm.s32 $_size__tile_overlayer_lowered;
	s6 =	simm.s32 $_tile_overlayer_lowered  }
0x9b: {  	s22 =	simm.s32 $0x1BFF;
	s21 =	sshll.u32 s6, $0x1;
	s3 =	sadd.s32 s4, s19  }
0x9c: {  	s7 =	simm.s32 $0x0;
	s20 =	sshll.u32 s5, $0x1;
	s5 =	sadd.s32 s21, s3  }
0x9d: {  	[timem:s7], [sflag:s22] =	dma.local [hbm:s5], s20  }
0x9e: {  	_ =	swait.ge [sflag:s22], s20  }
0x9f: {  	s4 =	ssub.s32 $0x0, s20;
	[sflag:s22] =	ssyncset.done $0x0  }
0xa0: {  	[sflag:s22] =	ssyncadd.s32 s4;
	_ =	sdelay $0x1  }
0xa1: {  	s23 =	simm.s32 $0x1B8B  }
0xa2: {  	_ =	swait.ge [sflag:s23], $0x1  }
0xa3: {  	[sflag:s23] =	ssyncset.done $0x0  }
0xa4: {  	s25 =	simm.s32 $0x1B8E;
	s24 =	sld [smem:$0x3FFE];
	[sflag:s23] =	ssyncadd.s32 $0xFFFFFFFF  }
0xa5: {  	s26 =	simm.s32 $execute0_lowered;
	[smem:$0x3FD2] =	sst s25  }
0xa6: {  	s5 =	sshll.u32 s26, $0x1;
	_ =	strace $0x80000046;
	[dreg:$0x1] =	wrdreg $0xFFFFFFFF  }
0xa7: {  	s28 =	simm.s32 $_size_execute0_lowered;
	s3 =	sadd.s32 s3, s5;
	[dreg:$0x0] =	wrdreg $0x0  }
0xa8: {  	s5 =	sshll.u32 s28, $0x1;
	[dreg:$0x2] =	wrdreg s3  }
0xa9: {  	[dreg:$0x3] =	wrdreg s5  }
0xaa: {  	[dreg:$0x4] =	wrdreg $0xC0  }
0xab: {  	_ =	task [dreg:s7], $0x5FFFF  }
0xac: {  	[dreg:$0x1] =	wrdreg $0xFFFFFFFF  }
0xad: {  	[dreg:$0x0] =	wrdreg $0x60  }
0xae: {  	[dreg:$0x2] =	wrdreg s2  }
0xaf: {  	[dreg:$0x3] =	wrdreg s24  }
0xb0: {  	[dreg:$0x4] =	wrdreg $0x9  }
0xb1: {  	_ =	task.clear_ibuf [dreg:s7], $0x5FFFF;
	_ =	strace $0x90000046  }
0xb2: {  	s29 =	simm.s32 $0x9;
	_ =	strace $0x80000048  }
0xb3: {  	_ =	swait.ge [sflag:s29], $0x1  }
0xb4: {  	[sflag:s29] =	ssyncadd.s32 $0xFFFFFFFF  }
0xb5: {  	_ =	strace $0x90000048  }
0xb6: {  	_ =	sfence  }
0xb7: {  	s30 =	sld [smem:$0x0];
	_ =	sdelay $0x2  }
0xb8: {  	s31 =	sshll.u32 s1, $0xD;
	s1 =	sshrl.u32 s1, $0x2  }
0xb9: {  	s3 =	sand.u32 $0x4000, s31;
	s1 =	sadd.s32 s1, s30  }
0xba: {  	s0 =	sor.u32 s3, s0;
	s1 =	sshll.u32 s1, $0x11  }
0xbb: {  	s0 =	sor.u32 s1, s0  }
0xbc: {  	s0 =	sadd.s32 $0x8F2B, s0  }
0xbd: {  	[sflag:s0] =	ssyncadd.remote.s32 $0x1  }
0xbe: {  	_ =	sfence.sel $0xFFFF  }
0xbf: {  	[dreg:$0x0] =	wrdreg $0xFFFFFFFF;
	(pc) =	sbr.abs _section_cstart, $3  }
0xc0: {  	[dreg:$0x1] =	wrdreg $0xFFFFFFFF  }
0xc1: {  	_ =	task.clear_ibuf [dreg:s7], $0x2FFFF;
	_ =	strace $0x9FFFFFFF  }
0xc2: {  	(tm) =	ssettm $0x7FFFFFFF  }
0xc3: {  	_ =	shalt  }
tec
execute0_lowered:
.L_overlay_start_1:
0x0: {  	(tag) =	ssettag $0x1  }
0x1: {  	s0 =	rddreg [dreg:$0x0]  }
0x2: {  	s1 =	rddreg [dreg:$0x1]  }
0x3: {  	s3 =	simm.s32 $0x0;
	s2 =	srdreg.scid;
	s9 =	stileid.u32  }
0x4: {  	s18 =	simm.s32 $0x9;
	s28 =	simm.s32 $0x2;
	s30 =	simm.s32 $0x19000  }
0x5: {  	s31 =	simm.s32 $0x3;
	s29 =	simm.s32 $0x6;
	[smem:$0x7FF] =	sst s3  }
0x6: {  	s2 =	sand.u32 $0x1, s2;
	s19 =	sshll.u32 s9, $0x1;
	s20 =	smul.u32 $0xC800, s9  }
0x7: {  	s4 =	sor.u32 s2, s19;
	s6 =	ssub.s32 $0x2, s2;
	s2 =	smul.u32 $0x6400, s2  }
0x8: {  	s3 =	sadd.s32 $0xF42E00, s1;
	s1 =	sadd.s32 $0xA00, s1;
	s5 =	smul.u32 $0x6400, s4  }
0x9: {  	_ =	strace $0x80000047;
	s19 =	simm.s32 $0x190;
	s7 =	smul.u32 $0x64000, s4  }
0xa: {  	s8 =	sshrl.u32 s6, $0x1;
	s4 =	smul.u32 $0x320000, s4;
	s5 =	sshrl.u32 s5, $0x3  }
0xb: {  	s6 =	ssub.s32 s6, s8;
	s0 =	sadd.s32 s0, s5;
	s5 =	sadd.s32 s1, s7  }
0xc: {  	s4 =	sshrl.u32 s4, $0x3;
	[dreg:$0x3] =	wrdreg s0;
	s7 =	sadd.s32 $0x1900, s5  }
0xd: {  	s4 =	sadd.s32 s1, s4;
	s21 =	sadd.s32 $0x3200, s5;
	[dreg:$0x4] =	wrdreg s7  }
0xe: {  	s13 =	smax.u32 s6, $0x1;
	s22 =	sadd.s32 $0x4B00, s4;
	[dreg:$0x5] =	wrdreg s21  }
0xf: {  	s23 =	sadd.s32 $0x5DC00, s4;
	s0 =	sadd.s32 s2, s20;
	[dreg:$0x6] =	wrdreg s22  }
0x10: {  	s24 =	sadd.s32 $0x5F500, s4;
	s25 =	sadd.s32 $0x60E00, s4;
	[dreg:$0x7] =	wrdreg s23  }
0x11: {  	s26 =	sadd.s32 $0x62700, s4;
	s20 =	simm.s32 $0x6400;
	[dreg:$0x8] =	wrdreg s24  }
0x12: {  	s2 =	simm.s32 $0x8;
	s4 =	simm.s32 $0x0;
	[dreg:$0x9] =	wrdreg s25  }
0x13: {  	s0 =	sshll.u32 s0, $0x4;
	[dreg:$0xa] =	wrdreg s26;
	s21 =	simm.s32 $0xC800  }
0x14: {  	s22 =	simm.s32 $0x1;
	s23 =	simm.s32 $0x40;
	s24 =	simm.s32 $0x80  }
0x15: {  	s26 =	simm.s32 $0x12C00;
	s25 =	simm.s32 $0x4;
	s0 =	sadd.s32 s1, s0  }
0x16: {  	s1 =	simm.s32 $0x7;
	s14 =	sadd.s32 $0x7D00, s0;
	s15 =	sadd.s32 $0xAF00, s0  }
0x17: {  	s16 =	sadd.s32 $0x9600, s0;
	s17 =	sadd.s32 $0x6400, s0;
	s0 =	simm.s32 $0x5  }
.LBB2_1:
0x18: {  	s6 =	simm.s32 $0x0;
	s7 =	rddreg [dreg:$0x3]  }
0x19: {  	[tilespmem:s6], [sflag:$0x9] =	stream.linear.gather [hbm4b:s7+s6], $0x6400, $0x38;
	[tilespmem:$0x1F400] =	vst v63  }
0x1a: {  	_ =	swait.ge [sflag:s18], $0x6400  }
0x1b: {  	[sflag:s18] =	ssyncset.done $0x0  }
0x1c: {  	[sflag:s18] =	ssyncadd.s32 $0xFFFF9C00  }
0x1d: {  	[tilespmem:s20], [sflag:$0x1] =	stream.indirect.gather [hbm4b:s3+s19], $0x40, s6, s19, $0xb8;
	[tilespmem:$0x1F400] =	vst v63  }
0x1e: {  	_ = 	snop  }
0x1f: {  	[tilespmem:s21], [sflag:$0x2] =	stream.indirect.gather [hbm4b:s3+s19], $0x40, s19, s19, $0xb8;
	[tilespmem:$0x1F400] =	vst v63  }
0x20: {  	_ =	swait.ge [sflag:s22], $0x6400  }
0x21: {  	[sflag:s22] =	ssyncset.done $0x0  }
0x22: {  	[sflag:s22] =	ssyncadd.s32 $0xFFFF9C00  }
0x23: {  	[hbm4b:s5+s23] =	stream.strided.scatter [tilespmem:s20], [sflag:$0x5], $0x6400, s24, s23, $0x38;
	[tilespmem:$0x1F400] =	vst v63  }
0x24: {  	s9 =	simm.s32 $0x320  }
0x25: {  	[tilespmem:s26], [sflag:$0x3] =	stream.indirect.gather [hbm4b:s3+s19], $0x40, s9, s19, $0xb8;
	[tilespmem:$0x1F400] =	vst v63  }
0x26: {  	_ =	swait.ge [sflag:s28], $0x6400  }
0x27: {  	[sflag:s28] =	ssyncset.done $0x0  }
0x28: {  	s10 =	rddreg [dreg:$0x4];
	[sflag:s28] =	ssyncadd.s32 $0xFFFF9C00  }
0x29: {  	[hbm4b:s10+s23] =	stream.strided.scatter [tilespmem:s21], [sflag:$0x6], $0x6400, s24, s23, $0x38;
	[tilespmem:$0x1F400] =	vst v63  }
0x2a: {  	s11 =	simm.s32 $0x4B0  }
0x2b: {  	[tilespmem:s30], [sflag:$0x4] =	stream.indirect.gather [hbm4b:s3+s19], $0x40, s11, s19, $0xb8;
	[tilespmem:$0x1F400] =	vst v63  }
0x2c: {  	_ =	swait.ge [sflag:s31], $0x6400  }
0x2d: {  	[sflag:s31] =	ssyncset.done $0x0  }
0x2e: {  	s12 =	rddreg [dreg:$0x5];
	[sflag:s31] =	ssyncadd.s32 $0xFFFF9C00  }
0x2f: {  	[hbm4b:s12+s23] =	stream.strided.scatter [tilespmem:s26], [sflag:$0x7], $0x6400, s24, s23, $0x38;
	[tilespmem:$0x1F400] =	vst v63  }
0x30: {  	_ =	swait.ge [sflag:s0], $0x6400  }
0x31: {  	[sflag:s0] =	ssyncset.done $0x0  }
0x32: {  	s7 =	simm.s32 $0x640;
	[sflag:s0] =	ssyncadd.s32 $0xFFFF9C00  }
0x33: {  	[tilespmem:s20], [sflag:$0x1] =	stream.indirect.gather [hbm4b:s3+s19], $0x40, s7, s19, $0xb8;
	[tilespmem:$0x1F400] =	vst v63  }
0x34: {  	_ =	swait.ge [sflag:s25], $0x6400  }
0x35: {  	[sflag:s25] =	ssyncset.done $0x0  }
0x36: {  	s8 =	rddreg [dreg:$0x6];
	[sflag:s25] =	ssyncadd.s32 $0xFFFF9C00  }
0x37: {  	[hbm4b:s8+s23] =	stream.strided.scatter [tilespmem:s30], [sflag:$0x8], $0x6400, s24, s23, $0x38;
	[tilespmem:$0x1F400] =	vst v63  }
0x38: {  	_ =	swait.ge [sflag:s29], $0x6400  }
0x39: {  	[sflag:s29] =	ssyncset.done $0x0  }
0x3a: {  	s9 =	simm.s32 $0x7D0;
	[sflag:s29] =	ssyncadd.s32 $0xFFFF9C00  }
0x3b: {  	[tilespmem:s21], [sflag:$0x2] =	stream.indirect.gather [hbm4b:s3+s19], $0x40, s9, s19, $0xb8;
	[tilespmem:$0x1F400] =	vst v63  }
0x3c: {  	_ =	swait.ge [sflag:s22], $0x6400  }
0x3d: {  	[sflag:s22] =	ssyncset.done $0x0  }
0x3e: {  	[sflag:s22] =	ssyncadd.s32 $0xFFFF9C00  }
0x3f: {  	[hbm4b:s17+s23] =	stream.strided.scatter [tilespmem:s20], [sflag:$0x5], $0x6400, s24, s23, $0x38;
	[tilespmem:$0x1F400] =	vst v63  }
0x40: {  	_ =	swait.ge [sflag:s1], $0x6400  }
0x41: {  	[sflag:s1] =	ssyncset.done $0x0  }
0x42: {  	s10 =	simm.s32 $0x960;
	[sflag:s1] =	ssyncadd.s32 $0xFFFF9C00  }
0x43: {  	[tilespmem:s26], [sflag:$0x3] =	stream.indirect.gather [hbm4b:s3+s19], $0x40, s10, s19, $0xb8;
	[tilespmem:$0x1F400] =	vst v63  }
0x44: {  	_ =	swait.ge [sflag:s28], $0x6400  }
0x45: {  	[sflag:s28] =	ssyncset.done $0x0  }
0x46: {  	[sflag:s28] =	ssyncadd.s32 $0xFFFF9C00  }
0x47: {  	[hbm4b:s14+s23] =	stream.strided.scatter [tilespmem:s21], [sflag:$0x6], $0x6400, s24, s23, $0x38;
	[tilespmem:$0x1F400] =	vst v63  }
0x48: {  	_ =	swait.ge [sflag:s2], $0x6400  }
0x49: {  	[sflag:s2] =	ssyncset.done $0x0  }
0x4a: {  	s11 =	simm.s32 $0xAF0;
	[sflag:s2] =	ssyncadd.s32 $0xFFFF9C00  }
0x4b: {  	[tilespmem:s30], [sflag:$0x4] =	stream.indirect.gather [hbm4b:s3+s19], $0x40, s11, s19, $0xb8;
	[tilespmem:$0x1F400] =	vst v63  }
0x4c: {  	_ =	swait.ge [sflag:s31], $0x6400  }
0x4d: {  	[sflag:s31] =	ssyncset.done $0x0  }
0x4e: {  	[sflag:s31] =	ssyncadd.s32 $0xFFFF9C00  }
0x4f: {  	[hbm4b:s16+s23] =	stream.strided.scatter [tilespmem:s26], [sflag:$0x7], $0x6400, s24, s23, $0x38;
	[tilespmem:$0x1F400] =	vst v63  }
0x50: {  	_ =	swait.ge [sflag:s0], $0x6400  }
0x51: {  	[sflag:s0] =	ssyncset.done $0x0  }
0x52: {  	s12 =	simm.s32 $0xC80;
	[sflag:s0] =	ssyncadd.s32 $0xFFFF9C00  }
0x53: {  	[tilespmem:s20], [sflag:$0x1] =	stream.indirect.gather [hbm4b:s3+s19], $0x40, s12, s19, $0xb8;
	[tilespmem:$0x1F400] =	vst v63  }
0x54: {  	_ =	swait.ge [sflag:s25], $0x6400  }
0x55: {  	[sflag:s25] =	ssyncset.done $0x0  }
0x56: {  	[sflag:s25] =	ssyncadd.s32 $0xFFFF9C00  }
0x57: {  	[hbm4b:s15+s23] =	stream.strided.scatter [tilespmem:s30], [sflag:$0x8], $0x6400, s24, s23, $0x38;
	[tilespmem:$0x1F400] =	vst v63  }
0x58: {  	s6 =	simm.s32 $0x1900;
	s7 =	sadd.s32 $0x6400, s17;
	_ =	swait.ge [sflag:s29], $0x6400  }
0x59: {  	s8 =	sadd.s32 $0x6400, s15;
	s9 =	sadd.s32 $0x6400, s16;
	[sflag:s29] =	ssyncset.done $0x0  }
0x5a: {  	s10 =	sadd.s32 $0x6400, s14;
	s11 =	simm.s32 $0xE10;
	[sflag:s29] =	ssyncadd.s32 $0xFFFF9C00  }
.LBB2_2:
0x5b: {  	[tilespmem:s21], [sflag:$0x2] =	stream.indirect.gather [hbm4b:s3+s19], $0x40, s11, s19, $0xb8;
	[tilespmem:$0x1F400] =	vst v63  }
0x5c: {  	s11 =	smov.u32 s6  }
0x5d: {  	p0 =	sne.s32 s6, $0x14500;
	s6 =	sadd.s32 $0x1900, s6;
	_ =	swait.ge [sflag:s22], $0x6400  }
0x5e: {  	[sflag:s22] =	ssyncset.done $0x0  }
0x5f: {  	[sflag:s22] =	ssyncadd.s32 $0xFFFF9C00  }
0x60: {  	[hbm4b:s7+s23] =	stream.strided.scatter [tilespmem:s20], [sflag:$0x5], $0x6400, s24, s23, $0x38;
	[tilespmem:$0x1F400] =	vst v63  }
0x61: {  	_ =	swait.ge [sflag:s1], $0x6400  }
0x62: {  	s11 =	sshra.s32 s11, $0x2;
	[sflag:s1] =	ssyncset.done $0x0  }
0x63: {  	s12 =	sadd.s32 $0x960, s11;
	[sflag:s1] =	ssyncadd.s32 $0xFFFF9C00  }
0x64: {  	[tilespmem:s26], [sflag:$0x3] =	stream.indirect.gather [hbm4b:s3+s19], $0x40, s12, s19, $0xb8;
	[tilespmem:$0x1F400] =	vst v63  }
0x65: {  	_ =	swait.ge [sflag:s28], $0x6400  }
0x66: {  	[sflag:s28] =	ssyncset.done $0x0  }
0x67: {  	[sflag:s28] =	ssyncadd.s32 $0xFFFF9C00  }
0x68: {  	[hbm4b:s10+s23] =	stream.strided.scatter [tilespmem:s21], [sflag:$0x6], $0x6400, s24, s23, $0x38;
	[tilespmem:$0x1F400] =	vst v63  }
0x69: {  	_ =	swait.ge [sflag:s2], $0x6400  }
0x6a: {  	[sflag:s2] =	ssyncset.done $0x0  }
0x6b: {  	s12 =	sadd.s32 $0xAF0, s11;
	[sflag:s2] =	ssyncadd.s32 $0xFFFF9C00  }
0x6c: {  	[tilespmem:s30], [sflag:$0x4] =	stream.indirect.gather [hbm4b:s3+s19], $0x40, s12, s19, $0xb8;
	[tilespmem:$0x1F400] =	vst v63  }
0x6d: {  	_ =	swait.ge [sflag:s31], $0x6400  }
0x6e: {  	[sflag:s31] =	ssyncset.done $0x0  }
0x6f: {  	[sflag:s31] =	ssyncadd.s32 $0xFFFF9C00  }
0x70: {  	[hbm4b:s9+s23] =	stream.strided.scatter [tilespmem:s26], [sflag:$0x7], $0x6400, s24, s23, $0x38;
	[tilespmem:$0x1F400] =	vst v63  }
0x71: {  	_ =	swait.ge [sflag:s0], $0x6400  }
0x72: {  	[sflag:s0] =	ssyncset.done $0x0  }
0x73: {  	s12 =	sadd.s32 $0xC80, s11;
	[sflag:s0] =	ssyncadd.s32 $0xFFFF9C00  }
0x74: {  	[tilespmem:s20], [sflag:$0x1] =	stream.indirect.gather [hbm4b:s3+s19], $0x40, s12, s19, $0xb8;
	[tilespmem:$0x1F400] =	vst v63  }
0x75: {  	_ =	swait.ge [sflag:s25], $0x6400  }
0x76: {  	[sflag:s25] =	ssyncset.done $0x0  }
.Ltmp0:
0x77: {  	[sflag:s25] =	ssyncadd.s32 $0xFFFF9C00;
	(pc) =	sbr.rel @p0 .LBB2_2-.Ltmp0, $4  }
0x78: {  	[hbm4b:s8+s23] =	stream.strided.scatter [tilespmem:s30], [sflag:$0x8], $0x6400, s24, s23, $0x38;
	[tilespmem:$0x1F400] =	vst v63  }
0x79: {  	s7 =	sadd.s32 $0x6400, s7;
	_ =	swait.ge [sflag:s29], $0x6400  }
0x7a: {  	s9 =	sadd.s32 $0x6400, s9;
	s8 =	sadd.s32 $0x6400, s8;
	[sflag:s29] =	ssyncset.done $0x0  }
0x7b: {  	s10 =	sadd.s32 $0x6400, s10;
	s11 =	sadd.s32 $0xE10, s11;
	[sflag:s29] =	ssyncadd.s32 $0xFFFF9C00  }
0x7c: {  	[tilespmem:s21], [sflag:$0x2] =	stream.indirect.gather [hbm4b:s3+s19], $0x40, s11, s19, $0xb8;
	[tilespmem:$0x1F400] =	vst v63  }
0x7d: {  	_ =	swait.ge [sflag:s22], $0x6400  }
0x7e: {  	[sflag:s22] =	ssyncset.done $0x0  }
0x7f: {  	s6 =	rddreg [dreg:$0x7];
	[sflag:s22] =	ssyncadd.s32 $0xFFFF9C00  }
0x80: {  	[hbm4b:s6+s23] =	stream.strided.scatter [tilespmem:s20], [sflag:$0x5], $0x6400, s24, s23, $0x38;
	[tilespmem:$0x1F400] =	vst v63  }
0x81: {  	_ =	swait.ge [sflag:s1], $0x6400  }
0x82: {  	[sflag:s1] =	ssyncset.done $0x0  }
0x83: {  	s8 =	simm.s32 $0x60E0;
	[sflag:s1] =	ssyncadd.s32 $0xFFFF9C00  }
0x84: {  	[tilespmem:s26], [sflag:$0x3] =	stream.indirect.gather [hbm4b:s3+s19], $0x40, s8, s19, $0xb8;
	[tilespmem:$0x1F400] =	vst v63  }
0x85: {  	_ =	swait.ge [sflag:s28], $0x6400  }
0x86: {  	[sflag:s28] =	ssyncset.done $0x0  }
0x87: {  	s9 =	rddreg [dreg:$0x8];
	[sflag:s28] =	ssyncadd.s32 $0xFFFF9C00  }
0x88: {  	[hbm4b:s9+s23] =	stream.strided.scatter [tilespmem:s21], [sflag:$0x6], $0x6400, s24, s23, $0x38;
	[tilespmem:$0x1F400] =	vst v63  }
0x89: {  	_ =	swait.ge [sflag:s2], $0x6400  }
0x8a: {  	[sflag:s2] =	ssyncset.done $0x0  }
0x8b: {  	s10 =	simm.s32 $0x6270;
	[sflag:s2] =	ssyncadd.s32 $0xFFFF9C00  }
0x8c: {  	[tilespmem:s30], [sflag:$0x4] =	stream.indirect.gather [hbm4b:s3+s19], $0x40, s10, s19, $0xb8;
	[tilespmem:$0x1F400] =	vst v63  }
0x8d: {  	_ =	swait.ge [sflag:s31], $0x6400  }
0x8e: {  	[sflag:s31] =	ssyncset.done $0x0  }
0x8f: {  	s11 =	rddreg [dreg:$0x9];
	[sflag:s31] =	ssyncadd.s32 $0xFFFF9C00  }
0x90: {  	[hbm4b:s11+s23] =	stream.strided.scatter [tilespmem:s26], [sflag:$0x7], $0x6400, s24, s23, $0x38;
	[tilespmem:$0x1F400] =	vst v63  }
0x91: {  	_ =	swait.ge [sflag:s0], $0x6400  }
0x92: {  	[sflag:s0] =	ssyncset.done $0x0  }
0x93: {  	[sflag:s0] =	ssyncadd.s32 $0xFFFF9C00  }
0x94: {  	_ =	swait.ge [sflag:s25], $0x6400  }
0x95: {  	[sflag:s25] =	ssyncset.done $0x0  }
0x96: {  	s12 =	rddreg [dreg:$0xa];
	[sflag:s25] =	ssyncadd.s32 $0xFFFF9C00  }
0x97: {  	[hbm4b:s12+s23] =	stream.strided.scatter [tilespmem:s30], [sflag:$0x8], $0x6400, s24, s23, $0x38;
	[tilespmem:$0x1F400] =	vst v63  }
0x98: {  	_ =	swait.ge [sflag:s29], $0x6400  }
0x99: {  	[sflag:s29] =	ssyncset.done $0x0  }
0x9a: {  	s4 =	sadd.s32 $0x1, s4;
	[sflag:s29] =	ssyncadd.s32 $0xFFFF9C00  }
0x9b: {  	p0 =	sne.s32 s4, s13;
	_ =	swait.ge [sflag:s1], $0x6400  }
.Ltmp1:
0x9c: {  	[sflag:s1] =	ssyncset.done $0x0;
	(pc) =	sbr.rel @p0 .LBB2_1-.Ltmp1, $4  }
0x9d: {  	[sflag:s1] =	ssyncadd.s32 $0xFFFF9C00  }
0x9e: {  	_ =	swait.ge [sflag:s2], $0x6400  }
0x9f: {  	[sflag:s2] =	ssyncset.done $0x0  }
0xa0: {  	[sflag:s2] =	ssyncadd.s32 $0xFFFF9C00  }
0xa1: {  	_ =	sfence.sel $0x180000  }
0xa2: {  	[bflag:$0x0] =	sbarrier.arrive $0xFFFF  }
0xa3: {  	_ =	strace $0x90000047  }
0xa4: {  	s0 =	stileid.u32;
	[bflag:$0x2] =	sbarrier.arrive $0xFFFF  }
0xa5: {  	p0 =	sne.s32 s0, $0x0;
	s0 =	rddreg [dreg:$0x2]  }
0xa6: {  	s0 =	sadd.s32 @!p0 $0x100000, s0  }
0xa7: {  	[sflag:s0] =	ssyncadd.tile.s32 @!p0 $0x1;
	_ =	shalt  }
.Lfunc_end2:
_tile_overlayer_lowered:
.L_overlay_start_2:
0xa8: {  	(tag) =	ssettag $0x2  }
0xa9: {  	s0 =	rddreg [dreg:$0x0];
	s2 =	stileid.u32  }
0xaa: {  	s1 =	rddreg [dreg:$0x1];
	p0 =	sne.s32 s2, $0x0  }
0xab: {  	s3 =	rddreg [dreg:$0x2];
	[bflag:$0x3] =	sbarrier.arrive $0xFFFF;
	s2 =	simm.s32 @!p0 $0x1C09  }
0xac: {  	[timem:s3], [sflag:s2] =	dma.local @!p0 [hbm:s0], s1  }
0xad: {  	s0 =	simm.s32 @!p0 $0x9  }
0xae: {  	_ =	swait.ge @!p0 [sflag:s0], s1  }
0xaf: {  	s1 =	ssub.s32 @!p0 $0x0, s1;
	[sflag:s0] =	ssyncset.done @!p0 $0x0  }
0xb0: {  	[sflag:s0] =	ssyncadd.s32 @!p0 s1  }
0xb1: {  	[bflag:$0x3] =	sbarrier.arrive $0xFFFF  }
0xb2: {  	_ =	shalt  }

// kernel: sparse-core-data-format-call.cloned.1.call-start
scs
called_computation_lowered:
.L_overlay_start_0:
0x0: {  	s2 =	sld [smem:$0x3FD9]  }
0x1: {  	s3 =	sld [smem:$0x3FFE];
	_ =	sdelay $0x1  }
0x2: {  	s1 =	srdreg.scid  }
0x3: {  	s0 =	sand.u32 $0x1, s1  }
0x4: {  	s18 =	sshll.u32 s0, $0xA;
	s2 =	sadd.s32 s3, s2  }
0x5: {  	s2 =	sadd.s32 s2, s18  }
0x6: {  	[smem:$0x3FC6] =	sst s2  }
0x7: {  	_ = 	snop  }
0x8: {  	s2 =	sld [smem:$0x3FD0];
	(tm) =	ssettm $0x1  }
0x9: {  	s19 =	sld [smem:$0x3FFB];
	_ =	sdelay $0x3  }
0xa: {  	_ =	strace s19  }
0xb: {  	s3 =	sld [smem:$0x3FFC];
	_ =	sdelay $0x3  }
0xc: {  	_ =	strace s3  }
0xd: {  	s3 =	sld [smem:$0x3FFD];
	_ =	sdelay $0x3  }
0xe: {  	_ =	strace s3  }
0xf: {  	_ =	strace $0x8FFFFFFF  }
0x10: {  	s20 =	sld [smem:$0x3FDB];
	_ =	sdelay $0x1  }
0x11: {  	s4 =	simm.s32 $_scs_section_size  }
0x12: {  	s5 =	simm.s32 $_size__tile_overlayer_lowered;
	s6 =	simm.s32 $_tile_overlayer_lowered  }
0x13: {  	s23 =	simm.s32 $0x1BFF;
	s22 =	sshll.u32 s6, $0x1;
	s3 =	sadd.s32 s4, s20  }
0x14: {  	s7 =	simm.s32 $0x0;
	s21 =	sshll.u32 s5, $0x1;
	s5 =	sadd.s32 s22, s3  }
0x15: {  	[timem:s7], [sflag:s23] =	dma.local [hbm:s5], s21  }
0x16: {  	_ =	swait.ge [sflag:s23], s21  }
0x17: {  	s4 =	ssub.s32 $0x0, s21;
	[sflag:s23] =	ssyncset.done $0x0  }
0x18: {  	[sflag:s23] =	ssyncadd.s32 s4;
	_ =	sdelay $0x1  }
0x19: {  	s24 =	simm.s32 $0x1B8B  }
0x1a: {  	_ =	swait.ge [sflag:s24], $0x1  }
0x1b: {  	[sflag:s24] =	ssyncset.done $0x0  }
0x1c: {  	s26 =	simm.s32 $0x1B8E;
	s25 =	sld [smem:$0x3FFE];
	[sflag:s24] =	ssyncadd.s32 $0xFFFFFFFF  }
0x1d: {  	s27 =	simm.s32 $execute0_lowered;
	[smem:$0x3FD2] =	sst s26  }
0x1e: {  	s5 =	sshll.u32 s27, $0x1;
	_ =	strace $0x80000049;
	[dreg:$0x1] =	wrdreg $0xFFFFFFFF  }
0x1f: {  	s28 =	simm.s32 $_size_execute0_lowered;
	s3 =	sadd.s32 s3, s5;
	[dreg:$0x0] =	wrdreg $0x0  }
0x20: {  	s5 =	sshll.u32 s28, $0x1;
	[dreg:$0x2] =	wrdreg s3  }
0x21: {  	[dreg:$0x3] =	wrdreg s5  }
0x22: {  	[dreg:$0x4] =	wrdreg $0xC0  }
0x23: {  	_ =	task [dreg:s7], $0x5FFFF  }
0x24: {  	[dreg:$0x1] =	wrdreg $0xFFFFFFFF  }
0x25: {  	[dreg:$0x0] =	wrdreg $0x60  }
0x26: {  	[dreg:$0x2] =	wrdreg s25  }
0x27: {  	[dreg:$0x3] =	wrdreg s2  }
0x28: {  	[dreg:$0x4] =	wrdreg $0x9  }
0x29: {  	_ =	task.clear_ibuf [dreg:s7], $0x5FFFF;
	_ =	strace $0x90000049  }
0x2a: {  	s29 =	simm.s32 $0x9;
	_ =	strace $0x8000004B  }
0x2b: {  	_ =	swait.ge [sflag:s29], $0x1  }
0x2c: {  	[sflag:s29] =	ssyncadd.s32 $0xFFFFFFFF  }
0x2d: {  	_ =	strace $0x9000004B  }
0x2e: {  	_ =	sfence  }
0x2f: {  	s30 =	sld [smem:$0x0];
	_ =	sdelay $0x2  }
0x30: {  	s31 =	sshll.u32 s1, $0xD;
	s1 =	sshrl.u32 s1, $0x2  }
0x31: {  	s3 =	sand.u32 $0x4000, s31;
	s1 =	sadd.s32 s1, s30  }
0x32: {  	s0 =	sor.u32 s3, s0;
	s1 =	sshll.u32 s1, $0x11  }
0x33: {  	s0 =	sor.u32 s1, s0  }
0x34: {  	s0 =	sadd.s32 $0x8F2B, s0  }
0x35: {  	[sflag:s0] =	ssyncadd.remote.s32 $0x1  }
0x36: {  	_ =	sfence.sel $0xFFFF  }
0x37: {  	[dreg:$0x0] =	wrdreg $0xFFFFFFFF;
	(pc) =	sbr.abs _section_cstart, $3  }
0x38: {  	[dreg:$0x1] =	wrdreg $0xFFFFFFFF  }
0x39: {  	_ =	task.clear_ibuf [dreg:s7], $0x2FFFF;
	_ =	strace $0x9FFFFFFF  }
0x3a: {  	(tm) =	ssettm $0x7FFFFFFF  }
0x3b: {  	_ =	shalt  }
tec
execute0_lowered:
.L_overlay_start_1:
0x0: {  	(tag) =	ssettag $0x1  }
0x1: {  	s0 =	srdreg.scid  }
0x2: {  	s1 =	sshll.u32 s0, $0x4  }
0x3: {  	s0 =	stileid.u32;
	s1 =	sand.u32 $0x10, s1  }
0x4: {  	s1 =	sor.u32 s0, s1  }
0x5: {  	s6 =	rddreg [dreg:$0x0];
	s4 =	simm.s32 $0x1;
	s2 =	sshll.u32 s1, $0x7  }
0x6: {  	s7 =	simm.s32 $0x2;
	s12 =	simm.s32 $0x0;
	s1 =	ssub.s32 $0x1000, s2  }
0x7: {  	s8 =	simm.s32 $0x8000;
	s13 =	simm.s32 $0x0;
	s3 =	sand.u32 $0xF80, s1  }
0x8: {  	s9 =	simm.s32 $0x0;
	s5 =	sshrl.u32 s1, $0xC;
	p0 =	sne.s32 s3, $0x0  }
.Ltmp0:
0x9: {  	s1 =	rddreg [dreg:$0x2];
	s4 =	simm.s32 @!p0 $0x0;
	(pc) =	sbr.rel .LBB1_1-.Ltmp0, $4  }
0xa: {  	s11 =	simm.s32 $0x0;
	s3 =	rddreg [dreg:$0x1];
	s5 =	sadd.s32 s4, s5  }
0xb: {  	_ =	strace $0x8000004A;
	s4 =	simm.s32 $0x1;
	s5 =	smul.u32 $0xC8, s5  }
0xc: {  	s6 =	sadd.s32 $0xA00, s6;
	s10 =	smov.u32 s2;
	[sflag:s4] =	ssyncpa.u1 $0x0  }
0xd: {  	p0 =	por $0x0, $0x0;
	[sflag:s7] =	ssyncpa.u1 $0x0;
	s7 =	sor.u32 $0x1, s5  }
.LBB1_4:
0xe: {  	s16 =	sshll.u32 s13, $0x3;
	s17 =	sand.u32 $0x78, s13  }
0xf: {  	s30 =	sand.u32 $0x7E00, s13;
	s12 =	sshll.u32 s12, $0xF;
	s16 =	sand.u32 $0xC00, s16  }
0x10: {  	[tilespmem:s15+$0x810 ss:$0x81] =	vst.msk $0xffff, v2;
	s31 =	sand.u32 $0x7, s13;
	s16 =	sor.u32 s17, s16;
	s17 =	sadd.s32 s3, s30  }
0x11: {  	[tilespmem:s15+$0x1020 ss:$0x81] =	vst.msk $0xffff, v0;
	s13 =	sshll.u32 s31, $0x12;
	s12 =	sadd.s32 s12, s17;
	s16 =	sshrl.u32 s16, $0x3  }
0x12: {  	[tilespmem:s15+$0x0 ss:$0x81] =	vst.msk $0xffff, v1;
	s13 =	sor.u32 $0x400, s13;
	s12 =	sadd.s32 s16, s12  }
0x13: {  	[hbm4b:s12+s13] =	stream.strided.scatter [tilespmem:s14], [sflag:$0x2], $0x2000, s8, s13, $0x20;
	[tilespmem:$0x8080] =	vst v63  }
.LBB1_5:
0x14: {  	s14 =	sadd.s32 $0x1, s9  }
0x15: {  	s12 =	sadd.s32 $0x1000, s10;
	s16 =	smov.u32 s10;
	p2 =	sgt.s32 s14, $0xC7  }
0x16: {  	s16 =	smov.u32 @p2 s12  }
0x17: {  	s14 =	simm.s32 @p2 $0x0;
	p2 =	sgt.s32 s16, $0xFFF  }
0x18: {  	s16 =	smov.u32 @p2 s2;
	p2 =	sne.s32 s11, s7  }
.Ltmp1:
0x19: {  	p1 =	slt.u32 s11, $0x2;
	(pc) =	sbr.rel @!p2 .LBB1_6-.Ltmp1, $4  }
0x1a: {  	s15 =	simm.s32 @!p1 $0x2  }
0x1b: {  	s13 =	smov.u32 s10;
	p0 =	por !p0, !p0;
	_ =	swait.ge @!p1 [sflag:s15], $0x2000  }
0x1c: {  	s12 =	smov.u32 s9;
	[sflag:s15] =	ssyncset.done @!p1 $0x0;
	s9 =	smov.u32 s14  }
0x1d: {  	s11 =	sadd.s32 $0x1, s11;
	[sflag:s15] =	ssyncadd.s32 @!p1 $0xFFFFE000;
	s10 =	smov.u32 s16  }
.LBB1_1:
0x1e: {  	p1 =	sge.u32 s11, s5  }
0x1f: {  	s14 =	sand.u32 @!p1 $0x1FFFFFF, s9  }
0x20: {  	s15 =	smulhi.u32 @!p1 $0x147AE15, s14;
	_ =	sdelay $0x1  }
0x21: {  	s15 =	smul.u32 @!p1 $0xC8, s15  }
0x22: {  	s16 =	sxor.u32 @!p1 $0xFFFFFFFF, s11;
	s17 =	smul.u32 @!p1 $0xC80, s10  }
0x23: {  	s31 =	sadd.s32 $0xFFFFFFFF, s11;
	s16 =	sshll.u32 @!p1 s16, $0xD;
	s14 =	ssub.s32 @!p1 s14, s15  }
0x24: {  	s15 =	sand.u32 @!p1 $0x2000, s16;
	s16 =	sadd.s32 @!p1 s6, s17;
	s14 =	sshll.u32 @!p1 s14, $0x4  }
0x25: {  	s17 =	simm.s32 @!p1 $0x6400;
	s14 =	sadd.s32 @!p1 s14, s16;
	s16 =	simm.s32 @!p1 $0x40  }
0x26: {  	[tilespmem:s15], [sflag:$0x1] =	stream.strided.gather @!p1 [hbm4b:s14+s16], $0x2000, s17, s16, $0x38;
	[tilespmem:$0x8080] =	vst v63  }
0x27: {  	p1 =	sge.u32 s31, s5  }
.Ltmp2:
0x28: {  	_ = 	snop;
	(pc) =	sbr.rel @p1 .LBB1_5-.Ltmp2, $1  }
0x29: {  	_ =	sdelay $0x3  }
0x2a: {  	s14 =	simm.s32 $0x1  }
0x2b: {  	_ =	swait.ge [sflag:s4], $0x2000;
	s14 =	simm.s32 @!p0 $0x0  }
0x2c: {  	[sflag:s4] =	ssyncset.done $0x0;
	s15 =	sshll.u32 s14, $0xD  }
0x2d: {  	[sflag:s4] =	ssyncadd.s32 $0xFFFFE000;
	s18 =	sor.u32 $0x20, s15  }
0x2e: {  	s14 =	smul.u32 $0x8100, s14;
	v3 =	vld [tilespmem:s18+$0x10]  }
0x2f: {  	s30 =	sand.u32 $0x1, s11;
	v2 =	vld [tilespmem:s18+$0xFFFFFFF0]  }
0x30: {  	s15 =	smul.u32 $0x8100, s30;
	s14 =	sshrl.u32 s14, $0x2;
	v0 =	vld [tilespmem:s18+$0x0]  }
0x31: {  	v1 =	vld [tilespmem:s18+$0xFFFFFFE0];
	s16 =	sor.u32 $0x4000, s14  }
0x32: {  	s31 =	sshrl.u32 s15, $0x2;
	s15 =	sadd.s32 $0x0, s16  }
0x33: {  	s17 =	simm.s32 $0x4;
	s18 =	sadd.s32 $0x40, s18;
	s14 =	sor.u32 $0x4000, s31;
	[tilespmem:s15+$0x1830 ss:$0x81] =	vst.msk $0xffff, v3  }
.LBB1_3:
0x34: {  	v3 =	vld [tilespmem:s18+$0x10];
	p1 =	sne.s32 s17, $0x1FC;
	[tilespmem:s15+$0x810 ss:$0x81] =	vst.msk $0xffff, v2;
	s19 =	smov.u32 s17;
	s17 =	sadd.s32 $0x4, s17  }
.Ltmp3:
0x35: {  	v2 =	vld [tilespmem:s18+$0xFFFFFFF0];
	[tilespmem:s15+$0x1020 ss:$0x81] =	vst.msk $0xffff, v0;
	(pc) =	sbr.rel @p1 .LBB1_3-.Ltmp3, $4  }
0x36: {  	v0 =	vld [tilespmem:s18+$0x0];
	[tilespmem:s15+$0x0 ss:$0x81] =	vst.msk $0xffff, v1  }
0x37: {  	s15 =	sshra.s32 s19, $0x2;
	v1 =	vld [tilespmem:s18+$0xFFFFFFE0]  }
0x38: {  	s15 =	sadd.s32 s15, s16  }
0x39: {  	s18 =	sadd.s32 $0x40, s18;
	[tilespmem:s15+$0x1830 ss:$0x81] =	vst.msk $0xffff, v3  }
.Ltmp4:
0x3a: {  	_ = 	snop;
	(pc) =	sbr.rel .LBB1_4-.Ltmp4, $1  }
0x3b: {  	_ =	sdelay $0x3  }
.LBB1_6:
0x3c: {  	_ =	sfence.sel $0x180000  }
0x3d: {  	s2 =	simm.s32 $0x1;
	[bflag:$0x0] =	sbarrier.arrive $0xFFFF  }
0x3e: {  	s31 =	simm.s32 $0x2;
	[sflag:s2] =	ssyncpa.u1 $0x1  }
0x3f: {  	[sflag:s31] =	ssyncpa.u1 $0x1  }
0x40: {  	p0 =	sne.s32 s0, $0x0;
	_ =	strace $0x9000004A  }
0x41: {  	s0 =	sadd.s32 @!p0 $0x100000, s1;
	[bflag:$0x2] =	sbarrier.arrive $0xFFFF  }
0x42: {  	[sflag:s0] =	ssyncadd.tile.s32 @!p0 $0x1;
	_ =	shalt  }
.Lfunc_end1:
_tile_overlayer_lowered:
.L_overlay_start_2:
0x43: {  	(tag) =	ssettag $0x2  }
0x44: {  	s0 =	rddreg [dreg:$0x0];
	s2 =	stileid.u32  }
0x45: {  	s1 =	rddreg [dreg:$0x1];
	p0 =	sne.s32 s2, $0x0  }
0x46: {  	s3 =	rddreg [dreg:$0x2];
	[bflag:$0x3] =	sbarrier.arrive $0xFFFF;
	s2 =	simm.s32 @!p0 $0x1C01  }
0x47: {  	[timem:s3], [sflag:s2] =	dma.local @!p0 [hbm:s0], s1  }
0x48: {  	s0 =	simm.s32 @!p0 $0x1  }
0x49: {  	_ =	swait.ge @!p0 [sflag:s0], s1  }
0x4a: {  	s1 =	ssub.s32 @!p0 $0x0, s1;
	[sflag:s0] =	ssyncset.done @!p0 $0x0  }
0x4b: {  	[sflag:s0] =	ssyncadd.s32 @!p0 s1  }
0x4c: {  	[bflag:$0x3] =	sbarrier.arrive $0xFFFF  }
0x4d: {  	_ =	shalt  }

</sc_bundles>
